<compile_context>
chip_gen: v7x
topology: tpu7x:2x2x1
jax: 0.10.2.dev20260603
libtpu: 0.0.44.dev20260713+nightly
codegen_flags: <defaults>
</compile_context>

<pallas_src>
import jax
import jax.numpy as jnp
from jax import lax
from jax.experimental import pallas as pl
from jax.experimental.pallas import tpu as pltpu
from jax.experimental.pallas import tpu_sc as plsc

R, C = 16384, 1024
NW = 32
ROWS_W = R // NW
CR = 8
NCH = ROWS_W // CR
NBUF = 4
NOUTER = NCH // NBUF
TBL = 128
L = 16
VPC = CR * C // L


def _body(dist_hbm, grp_hbm, tbl_hbm, out_hbm,
          tbl_v, dist_v0, dist_v1, dist_v2, dist_v3,
          grp_v0, grp_v1, grp_v2, grp_v3,
          out_v0, out_v1, out_v2, out_v3,
          sd0, sd1, sd2, sd3, sg0, sg1, sg2, sg3, so0, so1, so2, so3):
  dist_bufs = [dist_v0, dist_v1, dist_v2, dist_v3]
  grp_bufs = [grp_v0, grp_v1, grp_v2, grp_v3]
  out_bufs = [out_v0, out_v1, out_v2, out_v3]
  cid = lax.axis_index("c")
  sid = lax.axis_index("s")
  wid = sid * 2 + cid
  base = wid * ROWS_W

  in_sems_d = [sd0, sd1, sd2, sd3]
  in_sems_g = [sg0, sg1, sg2, sg3]
  out_sems = [so0, so1, so2, so3]

  pltpu.sync_copy(tbl_hbm, tbl_v)

  lanes = lax.iota(jnp.int32, L)

  def in_slices(cg):
    row = base + cg * CR
    return dist_hbm.at[pl.ds(row, CR)], grp_hbm.at[pl.ds(row, CR)]

  def out_slice(cg):
    return out_hbm.at[pl.ds(base + cg * CR, CR)]

  for b in range(NBUF):
    dsl, gsl = in_slices(b)
    pltpu.async_copy(dsl, dist_bufs[b], in_sems_d[b])
    pltpu.async_copy(gsl, grp_bufs[b], in_sems_g[b])

  @pl.loop(0, NOUTER)
  def outer(j):
    for b in range(NBUF):
      cg = j * NBUF + b
      dsl, gsl = in_slices(cg)
      pltpu.make_async_copy(dsl, dist_bufs[b], in_sems_d[b]).wait()
      pltpu.make_async_copy(gsl, grp_bufs[b], in_sems_g[b]).wait()

      @pl.when(j > 0)
      def _():
        pltpu.make_async_copy(out_bufs[b], out_slice((j - 1) * NBUF + b),
                              out_sems[b]).wait()

      db = dist_bufs[b]
      gb = grp_bufs[b]
      ob = out_bufs[b]

      @plsc.parallel_loop(0, VPC, 1, unroll=8)
      def inner(i):
        r = i >> 6
        c = (i & 63) << 4
        g = gb[r, pl.ds(c, L)]
        w = plsc.load_gather(tbl_v, [g])
        d = db[r, pl.ds(c, L)]
        ob[r, pl.ds(c, L)] = jnp.maximum(d * w, 0.0)

      pltpu.async_copy(ob, out_slice(cg), out_sems[b])

      @pl.when(j < NOUTER - 1)
      def _():
        dsl2, gsl2 = in_slices(cg + NBUF)
        pltpu.async_copy(dsl2, dist_bufs[b], in_sems_d[b])
        pltpu.async_copy(gsl2, grp_bufs[b], in_sems_g[b])

  for b in range(NBUF):
    pltpu.make_async_copy(out_bufs[b], out_slice((NOUTER - 1) * NBUF + b),
                          out_sems[b]).wait()


@jax.jit
def _run(dist, grp, tbl):
  mesh = plsc.VectorSubcoreMesh(core_axis_name="c", subcore_axis_name="s")
  return pl.kernel(
      _body,
      out_type=jax.ShapeDtypeStruct((R, C), jnp.float32),
      mesh=mesh,
      compiler_params=pltpu.CompilerParams(needs_layout_passes=False),
      scratch_types=[
          pltpu.VMEM((TBL,), jnp.float32),
          pltpu.VMEM((CR, C), jnp.float32),
          pltpu.VMEM((CR, C), jnp.float32),
          pltpu.VMEM((CR, C), jnp.float32),
          pltpu.VMEM((CR, C), jnp.float32),
          pltpu.VMEM((CR, C), jnp.int32),
          pltpu.VMEM((CR, C), jnp.int32),
          pltpu.VMEM((CR, C), jnp.int32),
          pltpu.VMEM((CR, C), jnp.int32),
          pltpu.VMEM((CR, C), jnp.float32),
          pltpu.VMEM((CR, C), jnp.float32),
          pltpu.VMEM((CR, C), jnp.float32),
          pltpu.VMEM((CR, C), jnp.float32),          pltpu.SemaphoreType.DMA,
          pltpu.SemaphoreType.DMA,
          pltpu.SemaphoreType.DMA,
          pltpu.SemaphoreType.DMA,
          pltpu.SemaphoreType.DMA,
          pltpu.SemaphoreType.DMA,
          pltpu.SemaphoreType.DMA,
          pltpu.SemaphoreType.DMA,
          pltpu.SemaphoreType.DMA,
          pltpu.SemaphoreType.DMA,
          pltpu.SemaphoreType.DMA,
          pltpu.SemaphoreType.DMA,
      ],
  )(dist, grp, tbl)


def kernel(distance_matrix, groups, group_weights):
  tbl = jnp.zeros((TBL,), jnp.float32).at[:group_weights.shape[0]].set(
      group_weights[:, 0])
  return _run(distance_matrix, groups.astype(jnp.int32), tbl)

# --- scband reference (transcript-rebuilt; emitter-appended) ---
"""Pipeline reference for scband-grouped-monotonic-transform-net-2465311228391 (READ-ONLY COPY).

The authoritative reference and input builder live on the scoring server;
editing this copy changes nothing except your own understanding.
"""

import jax, jax.numpy as jnp
import numpy as np

N_GROUPS = 100

def setup_inputs(seed: int = 0) -> dict:
    key = jax.random.key(seed)
    k1, k2, k3 = jax.random.split(key, 3)
    distance_matrix = jax.random.uniform(k1, (16384, 1024), dtype=jnp.float32)
    groups = jax.random.randint(k2, (16384, 1024), 0, N_GROUPS, dtype=jnp.int64)
    group_weights = jax.random.uniform(k3, (N_GROUPS, 1), dtype=jnp.float32)
    return {"distance_matrix": distance_matrix, "groups": groups, "group_weights": group_weights}

def reference(distance_matrix, groups, group_weights):
    # The torch loop `group_weight_matrix[groups == i] = group_weights[i]` is
    # exactly a gather: group_weight_matrix = group_weights[groups, 0]
    group_weight_matrix = jnp.take(group_weights[:, 0], groups, axis=0)
    transformed = distance_matrix * group_weight_matrix
    monotonic_transformed = jax.nn.relu(transformed)
    return monotonic_transformed

if __name__ == "__main__":
    import jax
    _d = setup_inputs()
    print(jax.jit(kernel)(*tuple(_d.values())))

</pallas_src>

<mosaic_0001>
#map = affine_map<(d0, d1) -> (0, 0)>
#map1 = affine_map<(d0, d1) -> (0)>
module attributes {stable_mosaic.version = 14 : i64} {
  func.func @_body(%arg0: i32, %arg1: i32, %arg2: memref<16384x1024xf32, #tpu.memory_space<hbm>>, %arg3: memref<16384x1024xi32, #tpu.memory_space<hbm>>, %arg4: memref<128xf32, #tpu.memory_space<hbm>>, %arg5: memref<16384x1024xf32, #tpu.memory_space<hbm>>, %arg6: memref<128xf32, #tpu.memory_space<vmem>>, %arg7: memref<8x1024xf32, #tpu.memory_space<vmem>>, %arg8: memref<8x1024xf32, #tpu.memory_space<vmem>>, %arg9: memref<8x1024xf32, #tpu.memory_space<vmem>>, %arg10: memref<8x1024xf32, #tpu.memory_space<vmem>>, %arg11: memref<8x1024xi32, #tpu.memory_space<vmem>>, %arg12: memref<8x1024xi32, #tpu.memory_space<vmem>>, %arg13: memref<8x1024xi32, #tpu.memory_space<vmem>>, %arg14: memref<8x1024xi32, #tpu.memory_space<vmem>>, %arg15: memref<8x1024xf32, #tpu.memory_space<vmem>>, %arg16: memref<8x1024xf32, #tpu.memory_space<vmem>>, %arg17: memref<8x1024xf32, #tpu.memory_space<vmem>>, %arg18: memref<8x1024xf32, #tpu.memory_space<vmem>>, %arg19: memref<!tpu.dma_semaphore, #tpu.memory_space<semaphore_mem>>, %arg20: memref<!tpu.dma_semaphore, #tpu.memory_space<semaphore_mem>>, %arg21: memref<!tpu.dma_semaphore, #tpu.memory_space<semaphore_mem>>, %arg22: memref<!tpu.dma_semaphore, #tpu.memory_space<semaphore_mem>>, %arg23: memref<!tpu.dma_semaphore, #tpu.memory_space<semaphore_mem>>, %arg24: memref<!tpu.dma_semaphore, #tpu.memory_space<semaphore_mem>>, %arg25: memref<!tpu.dma_semaphore, #tpu.memory_space<semaphore_mem>>, %arg26: memref<!tpu.dma_semaphore, #tpu.memory_space<semaphore_mem>>, %arg27: memref<!tpu.dma_semaphore, #tpu.memory_space<semaphore_mem>>, %arg28: memref<!tpu.dma_semaphore, #tpu.memory_space<semaphore_mem>>, %arg29: memref<!tpu.dma_semaphore, #tpu.memory_space<semaphore_mem>>, %arg30: memref<!tpu.dma_semaphore, #tpu.memory_space<semaphore_mem>>) attributes {dimension_semantics = [#tpu.dimension_semantics<core_parallel>, #tpu.dimension_semantics<subcore_parallel>], iteration_bounds = array<i64: 2, 16>, scalar_prefetch = 0 : i64, scratch_operands = 25 : i64, tpu.core_type = #tpu.core_type<sc_vector_subcore>, window_params = [{transform_indices = #map}, {transform_indices = #map}, {transform_indices = #map1}, {transform_indices = #map}]} {
    %mul3A = arith.constant 2 : i32
    %mul3A_0 = arith.muli %arg1, %mul3A : i32
    %add3A = arith.addi %mul3A_0, %arg0 : i32
    %mul3A_1 = arith.constant 512 : i32
    %mul3A_2 = arith.muli %add3A, %mul3A_1 : i32
    "tpu.region"() ({
      %run_scoped3A = tpu.sem_alloc : memref<!tpu.dma_semaphore, #tpu.memory_space<semaphore_mem>>
      tpu.enqueue_dma source(%arg4 : memref<128xf32, #tpu.memory_space<hbm>>) target(%arg6 : memref<128xf32, #tpu.memory_space<vmem>>) target_semaphore(%run_scoped3A : memref<!tpu.dma_semaphore, #tpu.memory_space<semaphore_mem>>)
      tpu.wait_dma2 semaphore(%run_scoped3A : memref<!tpu.dma_semaphore, #tpu.memory_space<semaphore_mem>>) src(%arg4 : memref<128xf32, #tpu.memory_space<hbm>>) dst(%arg6 : memref<128xf32, #tpu.memory_space<vmem>>)
      tpu.yield
    }) : () -> ()
    %iota3A = tpu.iota {dimensions = array<i32: 0>} : vector<16xi32>
    %add3A_3 = arith.constant 0 : i32
    %add3A_4 = arith.addi %mul3A_2, %add3A_3 : i32
    %dma_start3A = arith.constant 0 : i32
    %dma_start3A_5 = tpu.memref_slice %arg2[%add3A_4, %dma_start3A] : memref<16384x1024xf32, #tpu.memory_space<hbm>> -> memref<8x1024xf32, #tpu.memory_space<hbm>>
    %dma_start3A_6 = arith.constant 0 : i32
    %dma_start3A_7 = tpu.memref_slice %arg2[%add3A_4, %dma_start3A_6] : memref<16384x1024xf32, #tpu.memory_space<hbm>> -> memref<8x1024xf32, #tpu.memory_space<hbm>>
    tpu.enqueue_dma source(%dma_start3A_7 : memref<8x1024xf32, #tpu.memory_space<hbm>>) target(%arg7 : memref<8x1024xf32, #tpu.memory_space<vmem>>) target_semaphore(%arg19 : memref<!tpu.dma_semaphore, #tpu.memory_space<semaphore_mem>>)
    %dma_start3A_8 = arith.constant 0 : i32
    %dma_start3A_9 = tpu.memref_slice %arg3[%add3A_4, %dma_start3A_8] : memref<16384x1024xi32, #tpu.memory_space<hbm>> -> memref<8x1024xi32, #tpu.memory_space<hbm>>
    %dma_start3A_10 = arith.constant 0 : i32
    %dma_start3A_11 = tpu.memref_slice %arg3[%add3A_4, %dma_start3A_10] : memref<16384x1024xi32, #tpu.memory_space<hbm>> -> memref<8x1024xi32, #tpu.memory_space<hbm>>
    tpu.enqueue_dma source(%dma_start3A_11 : memref<8x1024xi32, #tpu.memory_space<hbm>>) target(%arg11 : memref<8x1024xi32, #tpu.memory_space<vmem>>) target_semaphore(%arg23 : memref<!tpu.dma_semaphore, #tpu.memory_space<semaphore_mem>>)
    %add3A_12 = arith.constant 8 : i32
    %add3A_13 = arith.addi %mul3A_2, %add3A_12 : i32
    %dma_start3A_14 = arith.constant 0 : i32
    %dma_start3A_15 = tpu.memref_slice %arg2[%add3A_13, %dma_start3A_14] : memref<16384x1024xf32, #tpu.memory_space<hbm>> -> memref<8x1024xf32, #tpu.memory_space<hbm>>
    %dma_start3A_16 = arith.constant 0 : i32
    %dma_start3A_17 = tpu.memref_slice %arg2[%add3A_13, %dma_start3A_16] : memref<16384x1024xf32, #tpu.memory_space<hbm>> -> memref<8x1024xf32, #tpu.memory_space<hbm>>
    tpu.enqueue_dma source(%dma_start3A_17 : memref<8x1024xf32, #tpu.memory_space<hbm>>) target(%arg8 : memref<8x1024xf32, #tpu.memory_space<vmem>>) target_semaphore(%arg20 : memref<!tpu.dma_semaphore, #tpu.memory_space<semaphore_mem>>)
    %dma_start3A_18 = arith.constant 0 : i32
    %dma_start3A_19 = tpu.memref_slice %arg3[%add3A_13, %dma_start3A_18] : memref<16384x1024xi32, #tpu.memory_space<hbm>> -> memref<8x1024xi32, #tpu.memory_space<hbm>>
    %dma_start3A_20 = arith.constant 0 : i32
    %dma_start3A_21 = tpu.memref_slice %arg3[%add3A_13, %dma_start3A_20] : memref<16384x1024xi32, #tpu.memory_space<hbm>> -> memref<8x1024xi32, #tpu.memory_space<hbm>>
    tpu.enqueue_dma source(%dma_start3A_21 : memref<8x1024xi32, #tpu.memory_space<hbm>>) target(%arg12 : memref<8x1024xi32, #tpu.memory_space<vmem>>) target_semaphore(%arg24 : memref<!tpu.dma_semaphore, #tpu.memory_space<semaphore_mem>>)
    %add3A_22 = arith.constant 16 : i32
    %add3A_23 = arith.addi %mul3A_2, %add3A_22 : i32
    %dma_start3A_24 = arith.constant 0 : i32
    %dma_start3A_25 = tpu.memref_slice %arg2[%add3A_23, %dma_start3A_24] : memref<16384x1024xf32, #tpu.memory_space<hbm>> -> memref<8x1024xf32, #tpu.memory_space<hbm>>
    %dma_start3A_26 = arith.constant 0 : i32
    %dma_start3A_27 = tpu.memref_slice %arg2[%add3A_23, %dma_start3A_26] : memref<16384x1024xf32, #tpu.memory_space<hbm>> -> memref<8x1024xf32, #tpu.memory_space<hbm>>
    tpu.enqueue_dma source(%dma_start3A_27 : memref<8x1024xf32, #tpu.memory_space<hbm>>) target(%arg9 : memref<8x1024xf32, #tpu.memory_space<vmem>>) target_semaphore(%arg21 : memref<!tpu.dma_semaphore, #tpu.memory_space<semaphore_mem>>)
    %dma_start3A_28 = arith.constant 0 : i32
    %dma_start3A_29 = tpu.memref_slice %arg3[%add3A_23, %dma_start3A_28] : memref<16384x1024xi32, #tpu.memory_space<hbm>> -> memref<8x1024xi32, #tpu.memory_space<hbm>>
    %dma_start3A_30 = arith.constant 0 : i32
    %dma_start3A_31 = tpu.memref_slice %arg3[%add3A_23, %dma_start3A_30] : memref<16384x1024xi32, #tpu.memory_space<hbm>> -> memref<8x1024xi32, #tpu.memory_space<hbm>>
    tpu.enqueue_dma source(%dma_start3A_31 : memref<8x1024xi32, #tpu.memory_space<hbm>>) target(%arg13 : memref<8x1024xi32, #tpu.memory_space<vmem>>) target_semaphore(%arg25 : memref<!tpu.dma_semaphore, #tpu.memory_space<semaphore_mem>>)
    %add3A_32 = arith.constant 24 : i32
    %add3A_33 = arith.addi %mul3A_2, %add3A_32 : i32
    %dma_start3A_34 = arith.constant 0 : i32
    %dma_start3A_35 = tpu.memref_slice %arg2[%add3A_33, %dma_start3A_34] : memref<16384x1024xf32, #tpu.memory_space<hbm>> -> memref<8x1024xf32, #tpu.memory_space<hbm>>
    %dma_start3A_36 = arith.constant 0 : i32
    %dma_start3A_37 = tpu.memref_slice %arg2[%add3A_33, %dma_start3A_36] : memref<16384x1024xf32, #tpu.memory_space<hbm>> -> memref<8x1024xf32, #tpu.memory_space<hbm>>
    tpu.enqueue_dma source(%dma_start3A_37 : memref<8x1024xf32, #tpu.memory_space<hbm>>) target(%arg10 : memref<8x1024xf32, #tpu.memory_space<vmem>>) target_semaphore(%arg22 : memref<!tpu.dma_semaphore, #tpu.memory_space<semaphore_mem>>)
    %dma_start3A_38 = arith.constant 0 : i32
    %dma_start3A_39 = tpu.memref_slice %arg3[%add3A_33, %dma_start3A_38] : memref<16384x1024xi32, #tpu.memory_space<hbm>> -> memref<8x1024xi32, #tpu.memory_space<hbm>>
    %dma_start3A_40 = arith.constant 0 : i32
    %dma_start3A_41 = tpu.memref_slice %arg3[%add3A_33, %dma_start3A_40] : memref<16384x1024xi32, #tpu.memory_space<hbm>> -> memref<8x1024xi32, #tpu.memory_space<hbm>>
    tpu.enqueue_dma source(%dma_start3A_41 : memref<8x1024xi32, #tpu.memory_space<hbm>>) target(%arg14 : memref<8x1024xi32, #tpu.memory_space<vmem>>) target_semaphore(%arg26 : memref<!tpu.dma_semaphore, #tpu.memory_space<semaphore_mem>>)
    %scan3A = arith.constant 0 : i32
    %scan3A_42 = arith.constant 16 : i32
    %scan3A_43 = arith.addi %scan3A, %scan3A_42 : i32
    %scan3A_44 = arith.constant 1 : i32
    scf.for %scan3A_69 = %scan3A to %scan3A_43 step %scan3A_44  : i32 {
      %mul3A_70 = arith.constant 1 : i32
      %mul3A_71 = arith.muli %scan3A_69, %mul3A_70 : i32
      %add3A_72 = arith.constant 0 : i32
      %add3A_73 = arith.addi %add3A_72, %mul3A_71 : i32
      %mul3A_74 = arith.constant 4 : i32
      %mul3A_75 = arith.muli %add3A_73, %mul3A_74 : i32
      %add3A_76 = arith.constant 0 : i32
      %add3A_77 = arith.addi %mul3A_75, %add3A_76 : i32
      %mul3A_78 = arith.constant 8 : i32
      %mul3A_79 = arith.muli %add3A_77, %mul3A_78 : i32
      %add3A_80 = arith.addi %mul3A_2, %mul3A_79 : i32
      %dma_wait3A_81 = arith.constant 0 : i32
      %dma_wait3A_82 = tpu.memref_slice %arg2[%add3A_80, %dma_wait3A_81] : memref<16384x1024xf32, #tpu.memory_space<hbm>> -> memref<8x1024xf32, #tpu.memory_space<hbm>>
      %dma_wait3A_83 = arith.constant 0 : i32
      %dma_wait3A_84 = tpu.memref_slice %arg2[%add3A_80, %dma_wait3A_83] : memref<16384x1024xf32, #tpu.memory_space<hbm>> -> memref<8x1024xf32, #tpu.memory_space<hbm>>
      tpu.wait_dma2 semaphore(%arg19 : memref<!tpu.dma_semaphore, #tpu.memory_space<semaphore_mem>>) src(%dma_wait3A_84 : memref<8x1024xf32, #tpu.memory_space<hbm>>) dst(%arg7 : memref<8x1024xf32, #tpu.memory_space<vmem>>)
      %dma_wait3A_85 = arith.constant 0 : i32
      %dma_wait3A_86 = tpu.memref_slice %arg3[%add3A_80, %dma_wait3A_85] : memref<16384x1024xi32, #tpu.memory_space<hbm>> -> memref<8x1024xi32, #tpu.memory_space<hbm>>
      %dma_wait3A_87 = arith.constant 0 : i32
      %dma_wait3A_88 = tpu.memref_slice %arg3[%add3A_80, %dma_wait3A_87] : memref<16384x1024xi32, #tpu.memory_space<hbm>> -> memref<8x1024xi32, #tpu.memory_space<hbm>>
      tpu.wait_dma2 semaphore(%arg23 : memref<!tpu.dma_semaphore, #tpu.memory_space<semaphore_mem>>) src(%dma_wait3A_88 : memref<8x1024xi32, #tpu.memory_space<hbm>>) dst(%arg11 : memref<8x1024xi32, #tpu.memory_space<vmem>>)
      %gt3A = arith.constant 0 : i32
      %gt3A_89 = arith.cmpi sgt, %add3A_73, %gt3A : i32
      %convert_element_type3A = arith.extui %gt3A_89 : i1 to i32
      %cond3A = arith.constant 0 : i32
      %cond3A_90 = arith.cmpi ne, %convert_element_type3A, %cond3A : i32
      scf.if %cond3A_90 {
        %sub3A = arith.constant 1 : i32
        %sub3A_209 = arith.subi %add3A_73, %sub3A : i32
        %mul3A_210 = arith.constant 4 : i32
        %mul3A_211 = arith.muli %sub3A_209, %mul3A_210 : i32
        %add3A_212 = arith.constant 0 : i32
        %add3A_213 = arith.addi %mul3A_211, %add3A_212 : i32
        %mul3A_214 = arith.constant 8 : i32
        %mul3A_215 = arith.muli %add3A_213, %mul3A_214 : i32
        %add3A_216 = arith.addi %mul3A_2, %mul3A_215 : i32
        %dma_wait3A_217 = arith.constant 0 : i32
        %dma_wait3A_218 = tpu.memref_slice %arg5[%add3A_216, %dma_wait3A_217] : memref<16384x1024xf32, #tpu.memory_space<hbm>> -> memref<8x1024xf32, #tpu.memory_space<hbm>>
        %dma_wait3A_219 = arith.constant 0 : i32
        %dma_wait3A_220 = tpu.memref_slice %arg5[%add3A_216, %dma_wait3A_219] : memref<16384x1024xf32, #tpu.memory_space<hbm>> -> memref<8x1024xf32, #tpu.memory_space<hbm>>
        tpu.wait_dma2 semaphore(%arg27 : memref<!tpu.dma_semaphore, #tpu.memory_space<semaphore_mem>>) src(%arg15 : memref<8x1024xf32, #tpu.memory_space<vmem>>) dst(%dma_wait3A_220 : memref<8x1024xf32, #tpu.memory_space<hbm>>)
      } else {
      }
      %parallel_loop3A = arith.constant 0 : i32
      %parallel_loop3A_91 = arith.constant 512 : i32
      %parallel_loop3A_92 = arith.constant 1 : i32
      scf.for %parallel_loop3A_209 = %parallel_loop3A to %parallel_loop3A_91 step %parallel_loop3A_92  : i32 {
        %parallel_loop3A_210 = arith.constant 6 : i32
        %parallel_loop3A_211 = arith.shrsi %parallel_loop3A_209, %parallel_loop3A_210 : i32
        %parallel_loop3A_212 = arith.constant 63 : i32
        %parallel_loop3A_213 = arith.andi %parallel_loop3A_209, %parallel_loop3A_212 : i32
        %parallel_loop3A_214 = arith.constant 4 : i32
        %parallel_loop3A_215 = arith.shli %parallel_loop3A_213, %parallel_loop3A_214 : i32
        %parallel_loop3A_216 = arith.index_cast %parallel_loop3A_211 : i32 to index
        %parallel_loop3A_217 = arith.index_cast %parallel_loop3A_215 : i32 to index
        %parallel_loop3A_218 = tpu.vector_load %arg11[%parallel_loop3A_216, %parallel_loop3A_217] {strides = array<i32>} : memref<8x1024xi32, #tpu.memory_space<vmem>>, vector<16xi32>,
        %parallel_loop3A_219 = tpu.vector_load_idx %arg6[%parallel_loop3A_218] : memref<128xf32, #tpu.memory_space<vmem>>[vector<16xi32>], vector<16xf32>,
        %parallel_loop3A_220 = arith.index_cast %parallel_loop3A_211 : i32 to index
        %parallel_loop3A_221 = arith.index_cast %parallel_loop3A_215 : i32 to index
        %parallel_loop3A_222 = tpu.vector_load %arg7[%parallel_loop3A_220, %parallel_loop3A_221] {strides = array<i32>} : memref<8x1024xf32, #tpu.memory_space<vmem>>, vector<16xf32>,
        %parallel_loop3A_223 = arith.mulf %parallel_loop3A_222, %parallel_loop3A_219 : vector<16xf32>
        %parallel_loop3A_224 = arith.constant 0.000000e+00 : f32
        %parallel_loop3A_225 = vector.broadcast %parallel_loop3A_224 : f32 to vector<16xf32>
        %parallel_loop3A_226 = arith.maximumf %parallel_loop3A_223, %parallel_loop3A_225 : vector<16xf32>
        %parallel_loop3A_227 = arith.index_cast %parallel_loop3A_211 : i32 to index
        %parallel_loop3A_228 = arith.index_cast %parallel_loop3A_215 : i32 to index
        %parallel_loop3A_229 = tpu.vector_load %arg15[%parallel_loop3A_227, %parallel_loop3A_228] {strides = array<i32>} : memref<8x1024xf32, #tpu.memory_space<vmem>>, vector<16xf32>,
        tpu.vector_store %arg15[%parallel_loop3A_227, %parallel_loop3A_228], %parallel_loop3A_226 {strides = array<i32>} : memref<8x1024xf32, #tpu.memory_space<vmem>>, vector<16xf32>,
      } {sc.loop_unroll_factor = 8 : i64, sc.parallel_access}
      %mul3A_93 = arith.constant 8 : i32
      %mul3A_94 = arith.muli %add3A_77, %mul3A_93 : i32
      %add3A_95 = arith.addi %mul3A_2, %mul3A_94 : i32
      %dma_start3A_96 = arith.constant 0 : i32
      %dma_start3A_97 = tpu.memref_slice %arg5[%add3A_95, %dma_start3A_96] : memref<16384x1024xf32, #tpu.memory_space<hbm>> -> memref<8x1024xf32, #tpu.memory_space<hbm>>
      %dma_start3A_98 = arith.constant 0 : i32
      %dma_start3A_99 = tpu.memref_slice %arg5[%add3A_95, %dma_start3A_98] : memref<16384x1024xf32, #tpu.memory_space<hbm>> -> memref<8x1024xf32, #tpu.memory_space<hbm>>
      tpu.enqueue_dma source(%arg15 : memref<8x1024xf32, #tpu.memory_space<vmem>>) target(%dma_start3A_99 : memref<8x1024xf32, #tpu.memory_space<hbm>>) target_semaphore(%arg27 : memref<!tpu.dma_semaphore, #tpu.memory_space<semaphore_mem>>)
      %lt3A = arith.constant 15 : i32
      %lt3A_100 = arith.cmpi slt, %add3A_73, %lt3A : i32
      %convert_element_type3A_101 = arith.extui %lt3A_100 : i1 to i32
      %cond3A_102 = arith.constant 0 : i32
      %cond3A_103 = arith.cmpi ne, %convert_element_type3A_101, %cond3A_102 : i32
      scf.if %cond3A_103 {
        %add3A_209 = arith.constant 4 : i32
        %add3A_210 = arith.addi %add3A_77, %add3A_209 : i32
        %mul3A_211 = arith.constant 8 : i32
        %mul3A_212 = arith.muli %add3A_210, %mul3A_211 : i32
        %add3A_213 = arith.addi %mul3A_2, %mul3A_212 : i32
        %dma_start3A_214 = arith.constant 0 : i32
        %dma_start3A_215 = tpu.memref_slice %arg2[%add3A_213, %dma_start3A_214] : memref<16384x1024xf32, #tpu.memory_space<hbm>> -> memref<8x1024xf32, #tpu.memory_space<hbm>>
        %dma_start3A_216 = arith.constant 0 : i32
        %dma_start3A_217 = tpu.memref_slice %arg2[%add3A_213, %dma_start3A_216] : memref<16384x1024xf32, #tpu.memory_space<hbm>> -> memref<8x1024xf32, #tpu.memory_space<hbm>>
        tpu.enqueue_dma source(%dma_start3A_217 : memref<8x1024xf32, #tpu.memory_space<hbm>>) target(%arg7 : memref<8x1024xf32, #tpu.memory_space<vmem>>) target_semaphore(%arg19 : memref<!tpu.dma_semaphore, #tpu.memory_space<semaphore_mem>>)
        %dma_start3A_218 = arith.constant 0 : i32
        %dma_start3A_219 = tpu.memref_slice %arg3[%add3A_213, %dma_start3A_218] : memref<16384x1024xi32, #tpu.memory_space<hbm>> -> memref<8x1024xi32, #tpu.memory_space<hbm>>
        %dma_start3A_220 = arith.constant 0 : i32
        %dma_start3A_221 = tpu.memref_slice %arg3[%add3A_213, %dma_start3A_220] : memref<16384x1024xi32, #tpu.memory_space<hbm>> -> memref<8x1024xi32, #tpu.memory_space<hbm>>
        tpu.enqueue_dma source(%dma_start3A_221 : memref<8x1024xi32, #tpu.memory_space<hbm>>) target(%arg11 : memref<8x1024xi32, #tpu.memory_space<vmem>>) target_semaphore(%arg23 : memref<!tpu.dma_semaphore, #tpu.memory_space<semaphore_mem>>)
      } else {
      }
      %mul3A_104 = arith.constant 4 : i32
      %mul3A_105 = arith.muli %add3A_73, %mul3A_104 : i32
      %add3A_106 = arith.constant 1 : i32
      %add3A_107 = arith.addi %mul3A_105, %add3A_106 : i32
      %mul3A_108 = arith.constant 8 : i32
      %mul3A_109 = arith.muli %add3A_107, %mul3A_108 : i32
      %add3A_110 = arith.addi %mul3A_2, %mul3A_109 : i32
      %dma_wait3A_111 = arith.constant 0 : i32
      %dma_wait3A_112 = tpu.memref_slice %arg2[%add3A_110, %dma_wait3A_111] : memref<16384x1024xf32, #tpu.memory_space<hbm>> -> memref<8x1024xf32, #tpu.memory_space<hbm>>
      %dma_wait3A_113 = arith.constant 0 : i32
      %dma_wait3A_114 = tpu.memref_slice %arg2[%add3A_110, %dma_wait3A_113] : memref<16384x1024xf32, #tpu.memory_space<hbm>> -> memref<8x1024xf32, #tpu.memory_space<hbm>>
      tpu.wait_dma2 semaphore(%arg20 : memref<!tpu.dma_semaphore, #tpu.memory_space<semaphore_mem>>) src(%dma_wait3A_114 : memref<8x1024xf32, #tpu.memory_space<hbm>>) dst(%arg8 : memref<8x1024xf32, #tpu.memory_space<vmem>>)
      %dma_wait3A_115 = arith.constant 0 : i32
      %dma_wait3A_116 = tpu.memref_slice %arg3[%add3A_110, %dma_wait3A_115] : memref<16384x1024xi32, #tpu.memory_space<hbm>> -> memref<8x1024xi32, #tpu.memory_space<hbm>>
      %dma_wait3A_117 = arith.constant 0 : i32
      %dma_wait3A_118 = tpu.memref_slice %arg3[%add3A_110, %dma_wait3A_117] : memref<16384x1024xi32, #tpu.memory_space<hbm>> -> memref<8x1024xi32, #tpu.memory_space<hbm>>
      tpu.wait_dma2 semaphore(%arg24 : memref<!tpu.dma_semaphore, #tpu.memory_space<semaphore_mem>>) src(%dma_wait3A_118 : memref<8x1024xi32, #tpu.memory_space<hbm>>) dst(%arg12 : memref<8x1024xi32, #tpu.memory_space<vmem>>)
      %gt3A_119 = arith.constant 0 : i32
      %gt3A_120 = arith.cmpi sgt, %add3A_73, %gt3A_119 : i32
      %convert_element_type3A_121 = arith.extui %gt3A_120 : i1 to i32
      %cond3A_122 = arith.constant 0 : i32
      %cond3A_123 = arith.cmpi ne, %convert_element_type3A_121, %cond3A_122 : i32
      scf.if %cond3A_123 {
        %sub3A = arith.constant 1 : i32
        %sub3A_209 = arith.subi %add3A_73, %sub3A : i32
        %mul3A_210 = arith.constant 4 : i32
        %mul3A_211 = arith.muli %sub3A_209, %mul3A_210 : i32
        %add3A_212 = arith.constant 1 : i32
        %add3A_213 = arith.addi %mul3A_211, %add3A_212 : i32
        %mul3A_214 = arith.constant 8 : i32
        %mul3A_215 = arith.muli %add3A_213, %mul3A_214 : i32
        %add3A_216 = arith.addi %mul3A_2, %mul3A_215 : i32
        %dma_wait3A_217 = arith.constant 0 : i32
        %dma_wait3A_218 = tpu.memref_slice %arg5[%add3A_216, %dma_wait3A_217] : memref<16384x1024xf32, #tpu.memory_space<hbm>> -> memref<8x1024xf32, #tpu.memory_space<hbm>>
        %dma_wait3A_219 = arith.constant 0 : i32
        %dma_wait3A_220 = tpu.memref_slice %arg5[%add3A_216, %dma_wait3A_219] : memref<16384x1024xf32, #tpu.memory_space<hbm>> -> memref<8x1024xf32, #tpu.memory_space<hbm>>
        tpu.wait_dma2 semaphore(%arg28 : memref<!tpu.dma_semaphore, #tpu.memory_space<semaphore_mem>>) src(%arg16 : memref<8x1024xf32, #tpu.memory_space<vmem>>) dst(%dma_wait3A_220 : memref<8x1024xf32, #tpu.memory_space<hbm>>)
      } else {
      }
      %parallel_loop3A_124 = arith.constant 0 : i32
      %parallel_loop3A_125 = arith.constant 512 : i32
      %parallel_loop3A_126 = arith.constant 1 : i32
      scf.for %parallel_loop3A_209 = %parallel_loop3A_124 to %parallel_loop3A_125 step %parallel_loop3A_126  : i32 {
        %parallel_loop3A_210 = arith.constant 6 : i32
        %parallel_loop3A_211 = arith.shrsi %parallel_loop3A_209, %parallel_loop3A_210 : i32
        %parallel_loop3A_212 = arith.constant 63 : i32
        %parallel_loop3A_213 = arith.andi %parallel_loop3A_209, %parallel_loop3A_212 : i32
        %parallel_loop3A_214 = arith.constant 4 : i32
        %parallel_loop3A_215 = arith.shli %parallel_loop3A_213, %parallel_loop3A_214 : i32
        %parallel_loop3A_216 = arith.index_cast %parallel_loop3A_211 : i32 to index
        %parallel_loop3A_217 = arith.index_cast %parallel_loop3A_215 : i32 to index
        %parallel_loop3A_218 = tpu.vector_load %arg12[%parallel_loop3A_216, %parallel_loop3A_217] {strides = array<i32>} : memref<8x1024xi32, #tpu.memory_space<vmem>>, vector<16xi32>,
        %parallel_loop3A_219 = tpu.vector_load_idx %arg6[%parallel_loop3A_218] : memref<128xf32, #tpu.memory_space<vmem>>[vector<16xi32>], vector<16xf32>,
        %parallel_loop3A_220 = arith.index_cast %parallel_loop3A_211 : i32 to index
        %parallel_loop3A_221 = arith.index_cast %parallel_loop3A_215 : i32 to index
        %parallel_loop3A_222 = tpu.vector_load %arg8[%parallel_loop3A_220, %parallel_loop3A_221] {strides = array<i32>} : memref<8x1024xf32, #tpu.memory_space<vmem>>, vector<16xf32>,
        %parallel_loop3A_223 = arith.mulf %parallel_loop3A_222, %parallel_loop3A_219 : vector<16xf32>
        %parallel_loop3A_224 = arith.constant 0.000000e+00 : f32
        %parallel_loop3A_225 = vector.broadcast %parallel_loop3A_224 : f32 to vector<16xf32>
        %parallel_loop3A_226 = arith.maximumf %parallel_loop3A_223, %parallel_loop3A_225 : vector<16xf32>
        %parallel_loop3A_227 = arith.index_cast %parallel_loop3A_211 : i32 to index
        %parallel_loop3A_228 = arith.index_cast %parallel_loop3A_215 : i32 to index
        %parallel_loop3A_229 = tpu.vector_load %arg16[%parallel_loop3A_227, %parallel_loop3A_228] {strides = array<i32>} : memref<8x1024xf32, #tpu.memory_space<vmem>>, vector<16xf32>,
        tpu.vector_store %arg16[%parallel_loop3A_227, %parallel_loop3A_228], %parallel_loop3A_226 {strides = array<i32>} : memref<8x1024xf32, #tpu.memory_space<vmem>>, vector<16xf32>,
      } {sc.loop_unroll_factor = 8 : i64, sc.parallel_access}
      %mul3A_127 = arith.constant 8 : i32
      %mul3A_128 = arith.muli %add3A_107, %mul3A_127 : i32
      %add3A_129 = arith.addi %mul3A_2, %mul3A_128 : i32
      %dma_start3A_130 = arith.constant 0 : i32
      %dma_start3A_131 = tpu.memref_slice %arg5[%add3A_129, %dma_start3A_130] : memref<16384x1024xf32, #tpu.memory_space<hbm>> -> memref<8x1024xf32, #tpu.memory_space<hbm>>
      %dma_start3A_132 = arith.constant 0 : i32
      %dma_start3A_133 = tpu.memref_slice %arg5[%add3A_129, %dma_start3A_132] : memref<16384x1024xf32, #tpu.memory_space<hbm>> -> memref<8x1024xf32, #tpu.memory_space<hbm>>
      tpu.enqueue_dma source(%arg16 : memref<8x1024xf32, #tpu.memory_space<vmem>>) target(%dma_start3A_133 : memref<8x1024xf32, #tpu.memory_space<hbm>>) target_semaphore(%arg28 : memref<!tpu.dma_semaphore, #tpu.memory_space<semaphore_mem>>)
      %lt3A_134 = arith.constant 15 : i32
      %lt3A_135 = arith.cmpi slt, %add3A_73, %lt3A_134 : i32
      %convert_element_type3A_136 = arith.extui %lt3A_135 : i1 to i32
      %cond3A_137 = arith.constant 0 : i32
      %cond3A_138 = arith.cmpi ne, %convert_element_type3A_136, %cond3A_137 : i32
      scf.if %cond3A_138 {
        %add3A_209 = arith.constant 4 : i32
        %add3A_210 = arith.addi %add3A_107, %add3A_209 : i32
        %mul3A_211 = arith.constant 8 : i32
        %mul3A_212 = arith.muli %add3A_210, %mul3A_211 : i32
        %add3A_213 = arith.addi %mul3A_2, %mul3A_212 : i32
        %dma_start3A_214 = arith.constant 0 : i32
        %dma_start3A_215 = tpu.memref_slice %arg2[%add3A_213, %dma_start3A_214] : memref<16384x1024xf32, #tpu.memory_space<hbm>> -> memref<8x1024xf32, #tpu.memory_space<hbm>>
        %dma_start3A_216 = arith.constant 0 : i32
        %dma_start3A_217 = tpu.memref_slice %arg2[%add3A_213, %dma_start3A_216] : memref<16384x1024xf32, #tpu.memory_space<hbm>> -> memref<8x1024xf32, #tpu.memory_space<hbm>>
        tpu.enqueue_dma source(%dma_start3A_217 : memref<8x1024xf32, #tpu.memory_space<hbm>>) target(%arg8 : memref<8x1024xf32, #tpu.memory_space<vmem>>) target_semaphore(%arg20 : memref<!tpu.dma_semaphore, #tpu.memory_space<semaphore_mem>>)
        %dma_start3A_218 = arith.constant 0 : i32
        %dma_start3A_219 = tpu.memref_slice %arg3[%add3A_213, %dma_start3A_218] : memref<16384x1024xi32, #tpu.memory_space<hbm>> -> memref<8x1024xi32, #tpu.memory_space<hbm>>
        %dma_start3A_220 = arith.constant 0 : i32
        %dma_start3A_221 = tpu.memref_slice %arg3[%add3A_213, %dma_start3A_220] : memref<16384x1024xi32, #tpu.memory_space<hbm>> -> memref<8x1024xi32, #tpu.memory_space<hbm>>
        tpu.enqueue_dma source(%dma_start3A_221 : memref<8x1024xi32, #tpu.memory_space<hbm>>) target(%arg12 : memref<8x1024xi32, #tpu.memory_space<vmem>>) target_semaphore(%arg24 : memref<!tpu.dma_semaphore, #tpu.memory_space<semaphore_mem>>)
      } else {
      }
      %mul3A_139 = arith.constant 4 : i32
      %mul3A_140 = arith.muli %add3A_73, %mul3A_139 : i32
      %add3A_141 = arith.constant 2 : i32
      %add3A_142 = arith.addi %mul3A_140, %add3A_141 : i32
      %mul3A_143 = arith.constant 8 : i32
      %mul3A_144 = arith.muli %add3A_142, %mul3A_143 : i32
      %add3A_145 = arith.addi %mul3A_2, %mul3A_144 : i32
      %dma_wait3A_146 = arith.constant 0 : i32
      %dma_wait3A_147 = tpu.memref_slice %arg2[%add3A_145, %dma_wait3A_146] : memref<16384x1024xf32, #tpu.memory_space<hbm>> -> memref<8x1024xf32, #tpu.memory_space<hbm>>
      %dma_wait3A_148 = arith.constant 0 : i32
      %dma_wait3A_149 = tpu.memref_slice %arg2[%add3A_145, %dma_wait3A_148] : memref<16384x1024xf32, #tpu.memory_space<hbm>> -> memref<8x1024xf32, #tpu.memory_space<hbm>>
      tpu.wait_dma2 semaphore(%arg21 : memref<!tpu.dma_semaphore, #tpu.memory_space<semaphore_mem>>) src(%dma_wait3A_149 : memref<8x1024xf32, #tpu.memory_space<hbm>>) dst(%arg9 : memref<8x1024xf32, #tpu.memory_space<vmem>>)
      %dma_wait3A_150 = arith.constant 0 : i32
      %dma_wait3A_151 = tpu.memref_slice %arg3[%add3A_145, %dma_wait3A_150] : memref<16384x1024xi32, #tpu.memory_space<hbm>> -> memref<8x1024xi32, #tpu.memory_space<hbm>>
      %dma_wait3A_152 = arith.constant 0 : i32
      %dma_wait3A_153 = tpu.memref_slice %arg3[%add3A_145, %dma_wait3A_152] : memref<16384x1024xi32, #tpu.memory_space<hbm>> -> memref<8x1024xi32, #tpu.memory_space<hbm>>
      tpu.wait_dma2 semaphore(%arg25 : memref<!tpu.dma_semaphore, #tpu.memory_space<semaphore_mem>>) src(%dma_wait3A_153 : memref<8x1024xi32, #tpu.memory_space<hbm>>) dst(%arg13 : memref<8x1024xi32, #tpu.memory_space<vmem>>)
      %gt3A_154 = arith.constant 0 : i32
      %gt3A_155 = arith.cmpi sgt, %add3A_73, %gt3A_154 : i32
      %convert_element_type3A_156 = arith.extui %gt3A_155 : i1 to i32
      %cond3A_157 = arith.constant 0 : i32
      %cond3A_158 = arith.cmpi ne, %convert_element_type3A_156, %cond3A_157 : i32
      scf.if %cond3A_158 {
        %sub3A = arith.constant 1 : i32
        %sub3A_209 = arith.subi %add3A_73, %sub3A : i32
        %mul3A_210 = arith.constant 4 : i32
        %mul3A_211 = arith.muli %sub3A_209, %mul3A_210 : i32
        %add3A_212 = arith.constant 2 : i32
        %add3A_213 = arith.addi %mul3A_211, %add3A_212 : i32
        %mul3A_214 = arith.constant 8 : i32
        %mul3A_215 = arith.muli %add3A_213, %mul3A_214 : i32
        %add3A_216 = arith.addi %mul3A_2, %mul3A_215 : i32
        %dma_wait3A_217 = arith.constant 0 : i32
        %dma_wait3A_218 = tpu.memref_slice %arg5[%add3A_216, %dma_wait3A_217] : memref<16384x1024xf32, #tpu.memory_space<hbm>> -> memref<8x1024xf32, #tpu.memory_space<hbm>>
        %dma_wait3A_219 = arith.constant 0 : i32
        %dma_wait3A_220 = tpu.memref_slice %arg5[%add3A_216, %dma_wait3A_219] : memref<16384x1024xf32, #tpu.memory_space<hbm>> -> memref<8x1024xf32, #tpu.memory_space<hbm>>
        tpu.wait_dma2 semaphore(%arg29 : memref<!tpu.dma_semaphore, #tpu.memory_space<semaphore_mem>>) src(%arg17 : memref<8x1024xf32, #tpu.memory_space<vmem>>) dst(%dma_wait3A_220 : memref<8x1024xf32, #tpu.memory_space<hbm>>)
      } else {
      }
      %parallel_loop3A_159 = arith.constant 0 : i32
      %parallel_loop3A_160 = arith.constant 512 : i32
      %parallel_loop3A_161 = arith.constant 1 : i32
      scf.for %parallel_loop3A_209 = %parallel_loop3A_159 to %parallel_loop3A_160 step %parallel_loop3A_161  : i32 {
        %parallel_loop3A_210 = arith.constant 6 : i32
        %parallel_loop3A_211 = arith.shrsi %parallel_loop3A_209, %parallel_loop3A_210 : i32
        %parallel_loop3A_212 = arith.constant 63 : i32
        %parallel_loop3A_213 = arith.andi %parallel_loop3A_209, %parallel_loop3A_212 : i32
        %parallel_loop3A_214 = arith.constant 4 : i32
        %parallel_loop3A_215 = arith.shli %parallel_loop3A_213, %parallel_loop3A_214 : i32
        %parallel_loop3A_216 = arith.index_cast %parallel_loop3A_211 : i32 to index
        %parallel_loop3A_217 = arith.index_cast %parallel_loop3A_215 : i32 to index
        %parallel_loop3A_218 = tpu.vector_load %arg13[%parallel_loop3A_216, %parallel_loop3A_217] {strides = array<i32>} : memref<8x1024xi32, #tpu.memory_space<vmem>>, vector<16xi32>,
        %parallel_loop3A_219 = tpu.vector_load_idx %arg6[%parallel_loop3A_218] : memref<128xf32, #tpu.memory_space<vmem>>[vector<16xi32>], vector<16xf32>,
        %parallel_loop3A_220 = arith.index_cast %parallel_loop3A_211 : i32 to index
        %parallel_loop3A_221 = arith.index_cast %parallel_loop3A_215 : i32 to index
        %parallel_loop3A_222 = tpu.vector_load %arg9[%parallel_loop3A_220, %parallel_loop3A_221] {strides = array<i32>} : memref<8x1024xf32, #tpu.memory_space<vmem>>, vector<16xf32>,
        %parallel_loop3A_223 = arith.mulf %parallel_loop3A_222, %parallel_loop3A_219 : vector<16xf32>
        %parallel_loop3A_224 = arith.constant 0.000000e+00 : f32
        %parallel_loop3A_225 = vector.broadcast %parallel_loop3A_224 : f32 to vector<16xf32>
        %parallel_loop3A_226 = arith.maximumf %parallel_loop3A_223, %parallel_loop3A_225 : vector<16xf32>
        %parallel_loop3A_227 = arith.index_cast %parallel_loop3A_211 : i32 to index
        %parallel_loop3A_228 = arith.index_cast %parallel_loop3A_215 : i32 to index
        %parallel_loop3A_229 = tpu.vector_load %arg17[%parallel_loop3A_227, %parallel_loop3A_228] {strides = array<i32>} : memref<8x1024xf32, #tpu.memory_space<vmem>>, vector<16xf32>,
        tpu.vector_store %arg17[%parallel_loop3A_227, %parallel_loop3A_228], %parallel_loop3A_226 {strides = array<i32>} : memref<8x1024xf32, #tpu.memory_space<vmem>>, vector<16xf32>,
      } {sc.loop_unroll_factor = 8 : i64, sc.parallel_access}
      %mul3A_162 = arith.constant 8 : i32
      %mul3A_163 = arith.muli %add3A_142, %mul3A_162 : i32
      %add3A_164 = arith.addi %mul3A_2, %mul3A_163 : i32
      %dma_start3A_165 = arith.constant 0 : i32
      %dma_start3A_166 = tpu.memref_slice %arg5[%add3A_164, %dma_start3A_165] : memref<16384x1024xf32, #tpu.memory_space<hbm>> -> memref<8x1024xf32, #tpu.memory_space<hbm>>
      %dma_start3A_167 = arith.constant 0 : i32
      %dma_start3A_168 = tpu.memref_slice %arg5[%add3A_164, %dma_start3A_167] : memref<16384x1024xf32, #tpu.memory_space<hbm>> -> memref<8x1024xf32, #tpu.memory_space<hbm>>
      tpu.enqueue_dma source(%arg17 : memref<8x1024xf32, #tpu.memory_space<vmem>>) target(%dma_start3A_168 : memref<8x1024xf32, #tpu.memory_space<hbm>>) target_semaphore(%arg29 : memref<!tpu.dma_semaphore, #tpu.memory_space<semaphore_mem>>)
      %lt3A_169 = arith.constant 15 : i32
      %lt3A_170 = arith.cmpi slt, %add3A_73, %lt3A_169 : i32
      %convert_element_type3A_171 = arith.extui %lt3A_170 : i1 to i32
      %cond3A_172 = arith.constant 0 : i32
      %cond3A_173 = arith.cmpi ne, %convert_element_type3A_171, %cond3A_172 : i32
      scf.if %cond3A_173 {
        %add3A_209 = arith.constant 4 : i32
        %add3A_210 = arith.addi %add3A_142, %add3A_209 : i32
        %mul3A_211 = arith.constant 8 : i32
        %mul3A_212 = arith.muli %add3A_210, %mul3A_211 : i32
        %add3A_213 = arith.addi %mul3A_2, %mul3A_212 : i32
        %dma_start3A_214 = arith.constant 0 : i32
        %dma_start3A_215 = tpu.memref_slice %arg2[%add3A_213, %dma_start3A_214] : memref<16384x1024xf32, #tpu.memory_space<hbm>> -> memref<8x1024xf32, #tpu.memory_space<hbm>>
        %dma_start3A_216 = arith.constant 0 : i32
        %dma_start3A_217 = tpu.memref_slice %arg2[%add3A_213, %dma_start3A_216] : memref<16384x1024xf32, #tpu.memory_space<hbm>> -> memref<8x1024xf32, #tpu.memory_space<hbm>>
        tpu.enqueue_dma source(%dma_start3A_217 : memref<8x1024xf32, #tpu.memory_space<hbm>>) target(%arg9 : memref<8x1024xf32, #tpu.memory_space<vmem>>) target_semaphore(%arg21 : memref<!tpu.dma_semaphore, #tpu.memory_space<semaphore_mem>>)
        %dma_start3A_218 = arith.constant 0 : i32
        %dma_start3A_219 = tpu.memref_slice %arg3[%add3A_213, %dma_start3A_218] : memref<16384x1024xi32, #tpu.memory_space<hbm>> -> memref<8x1024xi32, #tpu.memory_space<hbm>>
        %dma_start3A_220 = arith.constant 0 : i32
        %dma_start3A_221 = tpu.memref_slice %arg3[%add3A_213, %dma_start3A_220] : memref<16384x1024xi32, #tpu.memory_space<hbm>> -> memref<8x1024xi32, #tpu.memory_space<hbm>>
        tpu.enqueue_dma source(%dma_start3A_221 : memref<8x1024xi32, #tpu.memory_space<hbm>>) target(%arg13 : memref<8x1024xi32, #tpu.memory_space<vmem>>) target_semaphore(%arg25 : memref<!tpu.dma_semaphore, #tpu.memory_space<semaphore_mem>>)
      } else {
      }
      %mul3A_174 = arith.constant 4 : i32
      %mul3A_175 = arith.muli %add3A_73, %mul3A_174 : i32
      %add3A_176 = arith.constant 3 : i32
      %add3A_177 = arith.addi %mul3A_175, %add3A_176 : i32
      %mul3A_178 = arith.constant 8 : i32
      %mul3A_179 = arith.muli %add3A_177, %mul3A_178 : i32
      %add3A_180 = arith.addi %mul3A_2, %mul3A_179 : i32
      %dma_wait3A_181 = arith.constant 0 : i32
      %dma_wait3A_182 = tpu.memref_slice %arg2[%add3A_180, %dma_wait3A_181] : memref<16384x1024xf32, #tpu.memory_space<hbm>> -> memref<8x1024xf32, #tpu.memory_space<hbm>>
      %dma_wait3A_183 = arith.constant 0 : i32
      %dma_wait3A_184 = tpu.memref_slice %arg2[%add3A_180, %dma_wait3A_183] : memref<16384x1024xf32, #tpu.memory_space<hbm>> -> memref<8x1024xf32, #tpu.memory_space<hbm>>
      tpu.wait_dma2 semaphore(%arg22 : memref<!tpu.dma_semaphore, #tpu.memory_space<semaphore_mem>>) src(%dma_wait3A_184 : memref<8x1024xf32, #tpu.memory_space<hbm>>) dst(%arg10 : memref<8x1024xf32, #tpu.memory_space<vmem>>)
      %dma_wait3A_185 = arith.constant 0 : i32
      %dma_wait3A_186 = tpu.memref_slice %arg3[%add3A_180, %dma_wait3A_185] : memref<16384x1024xi32, #tpu.memory_space<hbm>> -> memref<8x1024xi32, #tpu.memory_space<hbm>>
      %dma_wait3A_187 = arith.constant 0 : i32
      %dma_wait3A_188 = tpu.memref_slice %arg3[%add3A_180, %dma_wait3A_187] : memref<16384x1024xi32, #tpu.memory_space<hbm>> -> memref<8x1024xi32, #tpu.memory_space<hbm>>
      tpu.wait_dma2 semaphore(%arg26 : memref<!tpu.dma_semaphore, #tpu.memory_space<semaphore_mem>>) src(%dma_wait3A_188 : memref<8x1024xi32, #tpu.memory_space<hbm>>) dst(%arg14 : memref<8x1024xi32, #tpu.memory_space<vmem>>)
      %gt3A_189 = arith.constant 0 : i32
      %gt3A_190 = arith.cmpi sgt, %add3A_73, %gt3A_189 : i32
      %convert_element_type3A_191 = arith.extui %gt3A_190 : i1 to i32
      %cond3A_192 = arith.constant 0 : i32
      %cond3A_193 = arith.cmpi ne, %convert_element_type3A_191, %cond3A_192 : i32
      scf.if %cond3A_193 {
        %sub3A = arith.constant 1 : i32
        %sub3A_209 = arith.subi %add3A_73, %sub3A : i32
        %mul3A_210 = arith.constant 4 : i32
        %mul3A_211 = arith.muli %sub3A_209, %mul3A_210 : i32
        %add3A_212 = arith.constant 3 : i32
        %add3A_213 = arith.addi %mul3A_211, %add3A_212 : i32
        %mul3A_214 = arith.constant 8 : i32
        %mul3A_215 = arith.muli %add3A_213, %mul3A_214 : i32
        %add3A_216 = arith.addi %mul3A_2, %mul3A_215 : i32
        %dma_wait3A_217 = arith.constant 0 : i32
        %dma_wait3A_218 = tpu.memref_slice %arg5[%add3A_216, %dma_wait3A_217] : memref<16384x1024xf32, #tpu.memory_space<hbm>> -> memref<8x1024xf32, #tpu.memory_space<hbm>>
        %dma_wait3A_219 = arith.constant 0 : i32
        %dma_wait3A_220 = tpu.memref_slice %arg5[%add3A_216, %dma_wait3A_219] : memref<16384x1024xf32, #tpu.memory_space<hbm>> -> memref<8x1024xf32, #tpu.memory_space<hbm>>
        tpu.wait_dma2 semaphore(%arg30 : memref<!tpu.dma_semaphore, #tpu.memory_space<semaphore_mem>>) src(%arg18 : memref<8x1024xf32, #tpu.memory_space<vmem>>) dst(%dma_wait3A_220 : memref<8x1024xf32, #tpu.memory_space<hbm>>)
      } else {
      }
      %parallel_loop3A_194 = arith.constant 0 : i32
      %parallel_loop3A_195 = arith.constant 512 : i32
      %parallel_loop3A_196 = arith.constant 1 : i32
      scf.for %parallel_loop3A_209 = %parallel_loop3A_194 to %parallel_loop3A_195 step %parallel_loop3A_196  : i32 {
        %parallel_loop3A_210 = arith.constant 6 : i32
        %parallel_loop3A_211 = arith.shrsi %parallel_loop3A_209, %parallel_loop3A_210 : i32
        %parallel_loop3A_212 = arith.constant 63 : i32
        %parallel_loop3A_213 = arith.andi %parallel_loop3A_209, %parallel_loop3A_212 : i32
        %parallel_loop3A_214 = arith.constant 4 : i32
        %parallel_loop3A_215 = arith.shli %parallel_loop3A_213, %parallel_loop3A_214 : i32
        %parallel_loop3A_216 = arith.index_cast %parallel_loop3A_211 : i32 to index
        %parallel_loop3A_217 = arith.index_cast %parallel_loop3A_215 : i32 to index
        %parallel_loop3A_218 = tpu.vector_load %arg14[%parallel_loop3A_216, %parallel_loop3A_217] {strides = array<i32>} : memref<8x1024xi32, #tpu.memory_space<vmem>>, vector<16xi32>,
        %parallel_loop3A_219 = tpu.vector_load_idx %arg6[%parallel_loop3A_218] : memref<128xf32, #tpu.memory_space<vmem>>[vector<16xi32>], vector<16xf32>,
        %parallel_loop3A_220 = arith.index_cast %parallel_loop3A_211 : i32 to index
        %parallel_loop3A_221 = arith.index_cast %parallel_loop3A_215 : i32 to index
        %parallel_loop3A_222 = tpu.vector_load %arg10[%parallel_loop3A_220, %parallel_loop3A_221] {strides = array<i32>} : memref<8x1024xf32, #tpu.memory_space<vmem>>, vector<16xf32>,
        %parallel_loop3A_223 = arith.mulf %parallel_loop3A_222, %parallel_loop3A_219 : vector<16xf32>
        %parallel_loop3A_224 = arith.constant 0.000000e+00 : f32
        %parallel_loop3A_225 = vector.broadcast %parallel_loop3A_224 : f32 to vector<16xf32>
        %parallel_loop3A_226 = arith.maximumf %parallel_loop3A_223, %parallel_loop3A_225 : vector<16xf32>
        %parallel_loop3A_227 = arith.index_cast %parallel_loop3A_211 : i32 to index
        %parallel_loop3A_228 = arith.index_cast %parallel_loop3A_215 : i32 to index
        %parallel_loop3A_229 = tpu.vector_load %arg18[%parallel_loop3A_227, %parallel_loop3A_228] {strides = array<i32>} : memref<8x1024xf32, #tpu.memory_space<vmem>>, vector<16xf32>,
        tpu.vector_store %arg18[%parallel_loop3A_227, %parallel_loop3A_228], %parallel_loop3A_226 {strides = array<i32>} : memref<8x1024xf32, #tpu.memory_space<vmem>>, vector<16xf32>,
      } {sc.loop_unroll_factor = 8 : i64, sc.parallel_access}
      %mul3A_197 = arith.constant 8 : i32
      %mul3A_198 = arith.muli %add3A_177, %mul3A_197 : i32
      %add3A_199 = arith.addi %mul3A_2, %mul3A_198 : i32
      %dma_start3A_200 = arith.constant 0 : i32
      %dma_start3A_201 = tpu.memref_slice %arg5[%add3A_199, %dma_start3A_200] : memref<16384x1024xf32, #tpu.memory_space<hbm>> -> memref<8x1024xf32, #tpu.memory_space<hbm>>
      %dma_start3A_202 = arith.constant 0 : i32
      %dma_start3A_203 = tpu.memref_slice %arg5[%add3A_199, %dma_start3A_202] : memref<16384x1024xf32, #tpu.memory_space<hbm>> -> memref<8x1024xf32, #tpu.memory_space<hbm>>
      tpu.enqueue_dma source(%arg18 : memref<8x1024xf32, #tpu.memory_space<vmem>>) target(%dma_start3A_203 : memref<8x1024xf32, #tpu.memory_space<hbm>>) target_semaphore(%arg30 : memref<!tpu.dma_semaphore, #tpu.memory_space<semaphore_mem>>)
      %lt3A_204 = arith.constant 15 : i32
      %lt3A_205 = arith.cmpi slt, %add3A_73, %lt3A_204 : i32
      %convert_element_type3A_206 = arith.extui %lt3A_205 : i1 to i32
      %cond3A_207 = arith.constant 0 : i32
      %cond3A_208 = arith.cmpi ne, %convert_element_type3A_206, %cond3A_207 : i32
      scf.if %cond3A_208 {
        %add3A_209 = arith.constant 4 : i32
        %add3A_210 = arith.addi %add3A_177, %add3A_209 : i32
        %mul3A_211 = arith.constant 8 : i32
        %mul3A_212 = arith.muli %add3A_210, %mul3A_211 : i32
        %add3A_213 = arith.addi %mul3A_2, %mul3A_212 : i32
        %dma_start3A_214 = arith.constant 0 : i32
        %dma_start3A_215 = tpu.memref_slice %arg2[%add3A_213, %dma_start3A_214] : memref<16384x1024xf32, #tpu.memory_space<hbm>> -> memref<8x1024xf32, #tpu.memory_space<hbm>>
        %dma_start3A_216 = arith.constant 0 : i32
        %dma_start3A_217 = tpu.memref_slice %arg2[%add3A_213, %dma_start3A_216] : memref<16384x1024xf32, #tpu.memory_space<hbm>> -> memref<8x1024xf32, #tpu.memory_space<hbm>>
        tpu.enqueue_dma source(%dma_start3A_217 : memref<8x1024xf32, #tpu.memory_space<hbm>>) target(%arg10 : memref<8x1024xf32, #tpu.memory_space<vmem>>) target_semaphore(%arg22 : memref<!tpu.dma_semaphore, #tpu.memory_space<semaphore_mem>>)
        %dma_start3A_218 = arith.constant 0 : i32
        %dma_start3A_219 = tpu.memref_slice %arg3[%add3A_213, %dma_start3A_218] : memref<16384x1024xi32, #tpu.memory_space<hbm>> -> memref<8x1024xi32, #tpu.memory_space<hbm>>
        %dma_start3A_220 = arith.constant 0 : i32
        %dma_start3A_221 = tpu.memref_slice %arg3[%add3A_213, %dma_start3A_220] : memref<16384x1024xi32, #tpu.memory_space<hbm>> -> memref<8x1024xi32, #tpu.memory_space<hbm>>
        tpu.enqueue_dma source(%dma_start3A_221 : memref<8x1024xi32, #tpu.memory_space<hbm>>) target(%arg14 : memref<8x1024xi32, #tpu.memory_space<vmem>>) target_semaphore(%arg26 : memref<!tpu.dma_semaphore, #tpu.memory_space<semaphore_mem>>)
      } else {
      }
    }
    %scan3A_45 = arith.constant 16 : i32
    %add3A_46 = arith.constant 480 : i32
    %add3A_47 = arith.addi %mul3A_2, %add3A_46 : i32
    %dma_wait3A = arith.constant 0 : i32
    %dma_wait3A_48 = tpu.memref_slice %arg5[%add3A_47, %dma_wait3A] : memref<16384x1024xf32, #tpu.memory_space<hbm>> -> memref<8x1024xf32, #tpu.memory_space<hbm>>
    %dma_wait3A_49 = arith.constant 0 : i32
    %dma_wait3A_50 = tpu.memref_slice %arg5[%add3A_47, %dma_wait3A_49] : memref<16384x1024xf32, #tpu.memory_space<hbm>> -> memref<8x1024xf32, #tpu.memory_space<hbm>>
    tpu.wait_dma2 semaphore(%arg27 : memref<!tpu.dma_semaphore, #tpu.memory_space<semaphore_mem>>) src(%arg15 : memref<8x1024xf32, #tpu.memory_space<vmem>>) dst(%dma_wait3A_50 : memref<8x1024xf32, #tpu.memory_space<hbm>>)
    %add3A_51 = arith.constant 488 : i32
    %add3A_52 = arith.addi %mul3A_2, %add3A_51 : i32
    %dma_wait3A_53 = arith.constant 0 : i32
    %dma_wait3A_54 = tpu.memref_slice %arg5[%add3A_52, %dma_wait3A_53] : memref<16384x1024xf32, #tpu.memory_space<hbm>> -> memref<8x1024xf32, #tpu.memory_space<hbm>>
    %dma_wait3A_55 = arith.constant 0 : i32
    %dma_wait3A_56 = tpu.memref_slice %arg5[%add3A_52, %dma_wait3A_55] : memref<16384x1024xf32, #tpu.memory_space<hbm>> -> memref<8x1024xf32, #tpu.memory_space<hbm>>
    tpu.wait_dma2 semaphore(%arg28 : memref<!tpu.dma_semaphore, #tpu.memory_space<semaphore_mem>>) src(%arg16 : memref<8x1024xf32, #tpu.memory_space<vmem>>) dst(%dma_wait3A_56 : memref<8x1024xf32, #tpu.memory_space<hbm>>)
    %add3A_57 = arith.constant 496 : i32
    %add3A_58 = arith.addi %mul3A_2, %add3A_57 : i32
    %dma_wait3A_59 = arith.constant 0 : i32
    %dma_wait3A_60 = tpu.memref_slice %arg5[%add3A_58, %dma_wait3A_59] : memref<16384x1024xf32, #tpu.memory_space<hbm>> -> memref<8x1024xf32, #tpu.memory_space<hbm>>
    %dma_wait3A_61 = arith.constant 0 : i32
    %dma_wait3A_62 = tpu.memref_slice %arg5[%add3A_58, %dma_wait3A_61] : memref<16384x1024xf32, #tpu.memory_space<hbm>> -> memref<8x1024xf32, #tpu.memory_space<hbm>>
    tpu.wait_dma2 semaphore(%arg29 : memref<!tpu.dma_semaphore, #tpu.memory_space<semaphore_mem>>) src(%arg17 : memref<8x1024xf32, #tpu.memory_space<vmem>>) dst(%dma_wait3A_62 : memref<8x1024xf32, #tpu.memory_space<hbm>>)
    %add3A_63 = arith.constant 504 : i32
    %add3A_64 = arith.addi %mul3A_2, %add3A_63 : i32
    %dma_wait3A_65 = arith.constant 0 : i32
    %dma_wait3A_66 = tpu.memref_slice %arg5[%add3A_64, %dma_wait3A_65] : memref<16384x1024xf32, #tpu.memory_space<hbm>> -> memref<8x1024xf32, #tpu.memory_space<hbm>>
    %dma_wait3A_67 = arith.constant 0 : i32
    %dma_wait3A_68 = tpu.memref_slice %arg5[%add3A_64, %dma_wait3A_67] : memref<16384x1024xf32, #tpu.memory_space<hbm>> -> memref<8x1024xf32, #tpu.memory_space<hbm>>
    tpu.wait_dma2 semaphore(%arg30 : memref<!tpu.dma_semaphore, #tpu.memory_space<semaphore_mem>>) src(%arg18 : memref<8x1024xf32, #tpu.memory_space<vmem>>) dst(%dma_wait3A_68 : memref<8x1024xf32, #tpu.memory_space<hbm>>)
    return
  }
}

</mosaic_0001>

<sc_bundles>
// kernel: _run.3.cloned.1.call-start
scs
__scs_entry_jumppad:
0x0: {  	(pc) =	sbr.rel $0x88, $3  }
0x1: {  	(tag) =	ssettag $0x0;
	lr =	simm.s32 $0x1  }
0x2: {  	[smem:$0x3F9E] =	sst lr;
	_ =	strace $0xD0000000  }
0x3: {  	_ = 	snop  }
0x4: {  	_ = 	snop  }
0x5: {  	_ = 	snop  }
0x6: {  	_ = 	snop  }
0x7: {  	_ = 	snop  }
__scs_overlays_trampoline_lowered:
0x8: {  	[smem:$0x3FAD] =	sst s0  }
0x9: {  	[smem:$0x3FAE] =	sst s1  }
0xa: {  	[smem:$0x3FAF] =	sst s2  }
0xb: {  	[smem:$0x3FB0] =	sst s3  }
0xc: {  	[smem:$0x3FB1] =	sst s4  }
0xd: {  	[smem:$0x3FB2] =	sst s5  }
0xe: {  	[smem:$0x3FB3] =	sst s6  }
0xf: {  	[smem:$0x3FB4] =	sst s7  }
0x10: {  	[smem:$0x3FB5] =	sst s8  }
0x11: {  	[smem:$0x3FB6] =	sst s9;
	s0 =	simm.s32 @!p0 $0x0  }
0x12: {  	s1 =	sld [smem:$0x3F9C];
	s0 =	simm.s32 @p0 $0x1  }
0x13: {  	[smem:$0x3FB7] =	sst s0;
	s0 =	simm.s32 @!p1 $0x0  }
0x14: {  	s2 =	sld [smem:$0x3F9B];
	s0 =	simm.s32 @p1 $0x1  }
0x15: {  	[smem:$0x3FB8] =	sst s0;
	s0 =	simm.s32 @!p2 $0x0  }
0x16: {  	s3 =	sld [smem:$0x3FDB];
	s0 =	simm.s32 @p2 $0x1  }
0x17: {  	s4 =	simm.s32 $0x1BF5;
	[smem:$0x3FBA] =	sst s0  }
0x18: {  	s0 =	sld [smem:$0x3F9D];
	_ =	swait.ge [sflag:s4], $0x0  }
0x19: {  	s7 =	sld [smem:$0x3F9E]  }
0x1a: {  	s8 =	sadd.s32 $0xFFFFE003, lr  }
0x1b: {  	s9 =	sadd.s32 $0xFFFFFEF7, lr;
	s5 =	simm.s32 $0xFFFFFFFF;
	p2 =	slt.u32 s8, $0xFFFFF086  }
0x1c: {  	p1 =	slt.u32 s9, $0xF7A;
	s5 =	simm.s32 @!p2 $0x0  }
0x1d: {  	s5 =	simm.s32 @p1 $0x1;
	p0 =	seq.s32 s7, s2  }
0x1e: {  	s7 =	smul.u32 @!p0 $0xF7A, s2;
	p2 =	seq.s32 @!p0 s5, $0x0  }
0x1f: {  	s9 =	smul.u32 $0xF7A, s1;
	s8 =	simm.s32 @!p0 $0x1BF5;
	p2 =	por !p2, p0  }
0x20: {  	[sflag:s8] =	ssyncset.s32 @!p0 $0xFFFFF086;
	s6 =	sadd.s32 @!p0 s3, s7;
	s7 =	simm.s32 @!p0 $0x108  }
0x21: {  	s3 =	sadd.s32 s3, s9;
	s6 =	sadd.s32 @!p0 $0x88, s6;
	s7 =	simm.s32 @p2 $0x1082  }
0x22: {  	[simem:s7], [sflag:s8] =	dma.local @!p0 [hbm:s6], $0xF7A  }
0x23: {  	s9 =	sor.u32 $0xD0000000, s2;
	s6 =	simm.s32 $0x108;
	_ =	swait.ge @!p0 [sflag:s8], $0x0  }
0x24: {  	s3 =	sadd.s32 $0x88, s3;
	s6 =	simm.s32 @!p1 $0x1082;
	[sflag:s4] =	ssyncset.s32 $0xFFFFF086  }
0x25: {  	[simem:s6], [sflag:s4] =	dma.local [hbm:s3], $0xF7A  }
0x26: {  	[smem:$0x3F9E] =	sst s1;
	(tag) =	ssettag s2;
	_ =	strace s9  }
0x27: {  	s1 =	sld [smem:$0x3FAE]  }
0x28: {  	s2 =	sld [smem:$0x3FAF]  }
0x29: {  	s4 =	sld [smem:$0x3FB1]  }
0x2a: {  	p0 =	seq.s32 s5, $0x0;
	s5 =	sld [smem:$0x3FB2]  }
0x2b: {  	s6 =	sld [smem:$0x3FB3]  }
0x2c: {  	s7 =	sld [smem:$0x3FB4]  }
0x2d: {  	s3 =	simm.s32 $0x108;
	s8 =	sld [smem:$0x3FB5]  }
0x2e: {  	s3 =	simm.s32 @!p0 $0x1082;
	s9 =	sld [smem:$0x3FB6]  }
0x2f: {  	lr =	sadd.s32 s0, s3;
	s0 =	sld [smem:$0x3FAD]  }
0x30: {  	s3 =	sld [smem:$0x3FB0]  }
0x31: {  	[smem:$0x3FB9] =	sst s10  }
0x32: {  	s10 =	sld [smem:$0x3FB7];
	_ =	sdelay $0x3  }
0x33: {  	p0 =	seq.s32 s10, $0x1;
	s10 =	sld [smem:$0x3FB9];
	_ =	sdelay $0x3  }
0x34: {  	[smem:$0x3FB9] =	sst s10  }
0x35: {  	s10 =	sld [smem:$0x3FB8];
	_ =	sdelay $0x3  }
0x36: {  	p1 =	seq.s32 s10, $0x1;
	s10 =	sld [smem:$0x3FB9];
	_ =	sdelay $0x3  }
0x37: {  	[smem:$0x3FB9] =	sst s10  }
0x38: {  	s10 =	sld [smem:$0x3FBA]  }
0x39: {  	_ = 	snop;
	(pc) =	sbr.ind lr, $3  }
0x3a: {  	_ = 	snop  }
0x3b: {  	_ = 	snop  }
0x3c: {  	p2 =	seq.s32 s10, $0x1;
	s10 =	sld [smem:$0x3FB9]  }
0x3d: {  	_ =	shalt  }
0x3e: {  	_ =	shalt  }
0x3f: {  	_ =	shalt  }
0x40: {  	_ =	shalt  }
0x41: {  	_ =	shalt  }
0x42: {  	_ =	shalt  }
0x43: {  	_ =	shalt  }
0x44: {  	_ =	shalt  }
0x45: {  	_ =	shalt  }
0x46: {  	_ =	shalt  }
0x47: {  	_ =	shalt  }
0x48: {  	_ =	shalt  }
0x49: {  	_ =	shalt  }
0x4a: {  	_ =	shalt  }
0x4b: {  	_ =	shalt  }
0x4c: {  	_ =	shalt  }
0x4d: {  	_ =	shalt  }
0x4e: {  	_ =	shalt  }
0x4f: {  	_ =	shalt  }
0x50: {  	_ =	shalt  }
0x51: {  	_ =	shalt  }
0x52: {  	_ =	shalt  }
0x53: {  	_ =	shalt  }
0x54: {  	_ =	shalt  }
0x55: {  	_ =	shalt  }
0x56: {  	_ =	shalt  }
0x57: {  	_ =	shalt  }
0x58: {  	_ =	shalt  }
0x59: {  	_ =	shalt  }
0x5a: {  	_ =	shalt  }
0x5b: {  	_ =	shalt  }
0x5c: {  	_ =	shalt  }
0x5d: {  	_ =	shalt  }
0x5e: {  	_ =	shalt  }
0x5f: {  	_ =	shalt  }
0x60: {  	_ =	shalt  }
0x61: {  	_ =	shalt  }
0x62: {  	_ =	shalt  }
0x63: {  	_ =	shalt  }
0x64: {  	_ =	shalt  }
0x65: {  	_ =	shalt  }
0x66: {  	_ =	shalt  }
0x67: {  	_ =	shalt  }
0x68: {  	_ =	shalt  }
0x69: {  	_ =	shalt  }
0x6a: {  	_ =	shalt  }
0x6b: {  	_ =	shalt  }
0x6c: {  	_ =	shalt  }
0x6d: {  	_ =	shalt  }
0x6e: {  	_ =	shalt  }
0x6f: {  	_ =	shalt  }
0x70: {  	_ =	shalt  }
0x71: {  	_ =	shalt  }
0x72: {  	_ =	shalt  }
0x73: {  	_ =	shalt  }
0x74: {  	_ =	shalt  }
0x75: {  	_ =	shalt  }
0x76: {  	_ =	shalt  }
0x77: {  	_ =	shalt  }
0x78: {  	_ =	shalt  }
0x79: {  	_ =	shalt  }
0x7a: {  	_ =	shalt  }
0x7b: {  	_ =	shalt  }
0x7c: {  	_ =	shalt  }
0x7d: {  	_ =	shalt  }
0x7e: {  	_ =	shalt  }
0x7f: {  	_ =	shalt  }
0x80: {  	_ =	shalt  }
0x81: {  	_ =	shalt  }
0x82: {  	_ =	shalt  }
0x83: {  	_ =	shalt  }
0x84: {  	_ =	shalt  }
0x85: {  	_ =	shalt  }
0x86: {  	_ =	shalt  }
0x87: {  	_ =	shalt  }
.Lfunc_end0:
.L_simem_size_0:
called_computation_lowered:
.L_overlay_start_0:
0x88: {  	s2 =	sld [smem:$0x3FD9]  }
0x89: {  	s3 =	sld [smem:$0x3FFE];
	_ =	sdelay $0x1  }
0x8a: {  	s1 =	srdreg.scid  }
0x8b: {  	s0 =	sand.u32 $0x1, s1  }
0x8c: {  	s18 =	sshll.u32 s0, $0xA;
	s2 =	sadd.s32 s3, s2  }
0x8d: {  	s2 =	sadd.s32 s2, s18  }
0x8e: {  	[smem:$0x3FC5] =	sst s2  }
0x8f: {  	_ = 	snop  }
0x90: {  	s2 =	sld [smem:$0x3FC9]  }
0x91: {  	s19 =	sld [smem:$0x3FC8]  }
0x92: {  	s4 =	sld [smem:$0x3FC7]  }
0x93: {  	s5 =	sld [smem:$0x3FD0];
	(tm) =	ssettm $0x1  }
0x94: {  	s6 =	sld [smem:$0x3FFB];
	_ =	sdelay $0x3  }
0x95: {  	_ =	strace s6  }
0x96: {  	s6 =	sld [smem:$0x3FFC];
	_ =	sdelay $0x3  }
0x97: {  	_ =	strace s6  }
0x98: {  	s6 =	sld [smem:$0x3FFD];
	_ =	sdelay $0x3  }
0x99: {  	_ =	strace s6  }
0x9a: {  	_ =	strace $0x8FFFFFFF  }
0x9b: {  	s20 =	sld [smem:$0x3FDB];
	_ =	sdelay $0x1  }
0x9c: {  	s7 =	simm.s32 $_scs_section_size  }
0x9d: {  	s8 =	simm.s32 $_size__tile_overlayer_lowered;
	s9 =	simm.s32 $_tile_overlayer_lowered  }
0x9e: {  	s23 =	simm.s32 $0x1BFF;
	s22 =	sshll.u32 s9, $0x1;
	s6 =	sadd.s32 s7, s20  }
0x9f: {  	s10 =	simm.s32 $0x0;
	s21 =	sshll.u32 s8, $0x1;
	s8 =	sadd.s32 s22, s6  }
0xa0: {  	[timem:s10], [sflag:s23] =	dma.local [hbm:s8], s21  }
0xa1: {  	_ =	swait.ge [sflag:s23], s21  }
0xa2: {  	s7 =	ssub.s32 $0x0, s21;
	[sflag:s23] =	ssyncset.done $0x0  }
0xa3: {  	[sflag:s23] =	ssyncadd.s32 s7;
	_ =	sdelay $0x1  }
0xa4: {  	s24 =	simm.s32 $0x1B8B  }
0xa5: {  	_ =	swait.ge [sflag:s24], $0x1  }
0xa6: {  	[sflag:s24] =	ssyncset.done $0x0  }
0xa7: {  	s25 =	simm.s32 $0x1B8E;
	[sflag:s24] =	ssyncadd.s32 $0xFFFFFFFF  }
0xa8: {  	s26 =	simm.s32 $execute0_lowered;
	[smem:$0x3FD2] =	sst s25  }
0xa9: {  	s7 =	sshll.u32 s26, $0x1;
	_ =	strace $0x80000046;
	[dreg:$0x1] =	wrdreg $0xFFFFFFFF  }
0xaa: {  	s28 =	simm.s32 $_size_execute0_lowered;
	s6 =	sadd.s32 s6, s7;
	[dreg:$0x0] =	wrdreg $0x0  }
0xab: {  	s7 =	sshll.u32 s28, $0x1;
	[dreg:$0x2] =	wrdreg s6  }
0xac: {  	[dreg:$0x3] =	wrdreg s7  }
0xad: {  	[dreg:$0x4] =	wrdreg $0xC0  }
0xae: {  	_ =	task [dreg:s10], $0x5FFFF  }
0xaf: {  	[dreg:$0x1] =	wrdreg $0xFFFFFFFF  }
0xb0: {  	[dreg:$0x0] =	wrdreg $0x60  }
0xb1: {  	[dreg:$0x2] =	wrdreg s2  }
0xb2: {  	[dreg:$0x3] =	wrdreg s19  }
0xb3: {  	[dreg:$0x4] =	wrdreg s4  }
0xb4: {  	[dreg:$0x5] =	wrdreg s5  }
0xb5: {  	[dreg:$0x6] =	wrdreg $0x9  }
0xb6: {  	_ =	task.clear_ibuf [dreg:s10], $0x7FFFF;
	_ =	strace $0x90000046  }
0xb7: {  	s29 =	simm.s32 $0x9;
	_ =	strace $0x80000048  }
0xb8: {  	_ =	swait.ge [sflag:s29], $0x1  }
0xb9: {  	[sflag:s29] =	ssyncadd.s32 $0xFFFFFFFF  }
0xba: {  	_ =	strace $0x90000048  }
0xbb: {  	_ =	sfence  }
0xbc: {  	s30 =	sld [smem:$0x0];
	_ =	sdelay $0x2  }
0xbd: {  	s31 =	sshll.u32 s1, $0xD;
	s1 =	sshrl.u32 s1, $0x2  }
0xbe: {  	s3 =	sand.u32 $0x4000, s31;
	s1 =	sadd.s32 s1, s30  }
0xbf: {  	s0 =	sor.u32 s3, s0;
	s1 =	sshll.u32 s1, $0x11  }
0xc0: {  	s0 =	sor.u32 s1, s0  }
0xc1: {  	s0 =	sadd.s32 $0x8F2B, s0  }
0xc2: {  	[sflag:s0] =	ssyncadd.remote.s32 $0x1  }
0xc3: {  	_ =	sfence.sel $0xFFFF  }
0xc4: {  	[dreg:$0x0] =	wrdreg $0xFFFFFFFF;
	(pc) =	sbr.abs _section_cstart, $3  }
0xc5: {  	[dreg:$0x1] =	wrdreg $0xFFFFFFFF  }
0xc6: {  	_ =	task.clear_ibuf [dreg:s10], $0x2FFFF;
	_ =	strace $0x9FFFFFFF  }
0xc7: {  	(tm) =	ssettm $0x7FFFFFFF  }
tec
execute0_lowered:
.L_overlay_start_1:
0x0: {  	(tag) =	ssettag $0x1  }
0x1: {  	s0 =	rddreg [dreg:$0x0]  }
0x2: {  	s3 =	rddreg [dreg:$0x1];
	s1 =	srdreg.scid  }
0x3: {  	s5 =	rddreg [dreg:$0x3];
	s2 =	stileid.u32;
	s6 =	simm.s32 $0x0  }
0x4: {  	s28 =	simm.s32 $0x7;
	s29 =	simm.s32 $0x14080;
	s10 =	simm.s32 $0x16080  }
0x5: {  	s12 =	simm.s32 $0x0;
	s1 =	sand.u32 $0x1, s1;
	s2 =	sshll.u32 s2, $0xA  }
0x6: {  	[smem:$0x7FF] =	sst s6;
	s4 =	sshll.u32 s1, $0x9;
	s1 =	ssub.s32 $0x2, s1  }
0x7: {  	_ =	strace $0x80000047;
	s7 =	sor.u32 s4, s2;
	s21 =	sshrl.u32 s1, $0x1  }
0x8: {  	s4 =	sshll.u32 s7, $0x7;
	s1 =	ssub.s32 s1, s21;
	s17 =	sor.u32 $0x20, s7  }
0x9: {  	s18 =	sor.u32 $0x28, s7;
	s19 =	sor.u32 $0x30, s7;
	s20 =	sor.u32 $0x38, s7  }
0xa: {  	s22 =	sor.u32 $0x400, s4;
	s8 =	sadd.s32 s0, s4;
	s23 =	sadd.s32 s3, s4  }
0xb: {  	s25 =	sor.u32 $0x800, s4;
	s26 =	sor.u32 $0xC00, s4;
	[dreg:$0x5] =	wrdreg s8  }
0xc: {  	s16 =	sadd.s32 s5, s4;
	s1 =	smax.u32 s1, $0x1;
	[dreg:$0x6] =	wrdreg s23  }
0xd: {  	s24 =	sadd.s32 s0, s22;
	s2 =	sadd.s32 s3, s22;
	[dreg:$0xd] =	wrdreg s1  }
0xe: {  	s9 =	sadd.s32 s0, s25;
	s30 =	sadd.s32 s0, s26;
	[dreg:$0x7] =	wrdreg s24  }
.Ltmp0:
0xf: {  	s31 =	sadd.s32 s3, s26;
	[dreg:$0x8] =	wrdreg s2;
	(pc) =	sbr.rel .LBB2_1-.Ltmp0, $4  }
0x10: {  	s1 =	simm.s32 $0x1;
	s23 =	simm.s32 $0x2;
	[dreg:$0x9] =	wrdreg s9  }
0x11: {  	s26 =	simm.s32 $0x3;
	s8 =	simm.s32 $0x4;
	[dreg:$0xb] =	wrdreg s30  }
0x12: {  	s2 =	sadd.s32 s3, s25;
	[dreg:$0xc] =	wrdreg s31;
	s24 =	simm.s32 $0x6  }
0x13: {  	s9 =	simm.s32 $0x8;
	[dreg:$0xa] =	wrdreg s2;
	s2 =	simm.s32 $0x5  }
.LBB2_12:
0x14: {  	s4 =	simm.s32 $0x9  }
0x15: {  	_ =	swait.ge [sflag:s4], $0x2000  }
0x16: {  	[sflag:s4] =	ssyncset.done $0x0  }
0x17: {  	s25 =	simm.s32 $0xA;
	[sflag:s4] =	ssyncadd.s32 $0xFFFFE000  }
0x18: {  	_ =	swait.ge [sflag:s25], $0x2000  }
0x19: {  	[sflag:s25] =	ssyncset.done $0x0  }
0x1a: {  	s30 =	simm.s32 $0xB;
	[sflag:s25] =	ssyncadd.s32 $0xFFFFE000  }
0x1b: {  	_ =	swait.ge [sflag:s30], $0x2000  }
0x1c: {  	[sflag:s30] =	ssyncset.done $0x0  }
0x1d: {  	s11 =	simm.s32 $0xC;
	[sflag:s30] =	ssyncadd.s32 $0xFFFFE000  }
0x1e: {  	_ =	swait.ge [sflag:s11], $0x2000  }
0x1f: {  	s12 =	rddreg [dreg:$0xe]  }
0x20: {  	s31 =	rddreg [dreg:$0xd];
	s12 =	sadd.s32 $0x1, s12  }
0x21: {  	p0 =	sne.s32 s12, s31  }
.Ltmp1:
0x22: {  	_ = 	snop;
	(pc) =	sbr.rel @!p0 .LBB2_13-.Ltmp1, $3  }
0x23: {  	_ =	sdelay $0x1  }
0x24: {  	[sflag:s11] =	ssyncset.done $0x0  }
0x25: {  	[sflag:s11] =	ssyncadd.s32 $0xFFFFE000  }
.LBB2_1:
0x26: {  	[dreg:$0xe] =	wrdreg s12  }
0x27: {  	s4 =	rddreg [dreg:$0x2];
	s15 =	simm.s32 $0xD  }
0x28: {  	[tilespmem:s6], [sflag:$0xD] =	stream.linear.gather [hbm4b:s4+s6], $0x80, $0x38;
	[tilespmem:$0x18080] =	vst v63  }
0x29: {  	_ =	swait.ge [sflag:s15], $0x80  }
0x2a: {  	[sflag:s15] =	ssyncset.done $0x0  }
0x2b: {  	s11 =	simm.s32 $0x80;
	s21 =	rddreg [dreg:$0x5];
	[sflag:s15] =	ssyncadd.s32 $0xFFFFFF80  }
0x2c: {  	[tilespmem:s11], [sflag:$0x1] =	stream.linear.gather [hbm4b:s21+s6], $0x2000, $0x38;
	[tilespmem:$0x18080] =	vst v63  }
0x2d: {  	s25 =	simm.s32 $0x8080;
	s22 =	rddreg [dreg:$0x6]  }
0x2e: {  	[tilespmem:s25], [sflag:$0x5] =	stream.linear.gather [hbm4b:s22+s6], $0x2000, $0x38;
	[tilespmem:$0x18080] =	vst v63  }
0x2f: {  	s31 =	simm.s32 $0x2080;
	s30 =	rddreg [dreg:$0x7]  }
0x30: {  	[tilespmem:s31], [sflag:$0x2] =	stream.linear.gather [hbm4b:s30+s6], $0x2000, $0x38;
	[tilespmem:$0x18080] =	vst v63  }
0x31: {  	s12 =	simm.s32 $0xA080;
	s11 =	rddreg [dreg:$0x8]  }
0x32: {  	[tilespmem:s12], [sflag:$0x6] =	stream.linear.gather [hbm4b:s11+s6], $0x2000, $0x38;
	[tilespmem:$0x18080] =	vst v63  }
0x33: {  	s14 =	simm.s32 $0x4080;
	s13 =	rddreg [dreg:$0x9]  }
0x34: {  	[tilespmem:s14], [sflag:$0x3] =	stream.linear.gather [hbm4b:s13+s6], $0x2000, $0x38;
	[tilespmem:$0x18080] =	vst v63  }
0x35: {  	s15 =	rddreg [dreg:$0xa];
	s21 =	simm.s32 $0xC080  }
0x36: {  	[tilespmem:s21], [sflag:$0x7] =	stream.linear.gather [hbm4b:s15+s6], $0x2000, $0x38;
	[tilespmem:$0x18080] =	vst v63  }
0x37: {  	s22 =	rddreg [dreg:$0xb];
	s25 =	simm.s32 $0x6080  }
0x38: {  	[tilespmem:s25], [sflag:$0x4] =	stream.linear.gather [hbm4b:s22+s6], $0x2000, $0x38;
	[tilespmem:$0x18080] =	vst v63  }
0x39: {  	s30 =	rddreg [dreg:$0xc];
	s31 =	simm.s32 $0xE080;
	s21 =	simm.s32 $0x0  }
0x3a: {  	[tilespmem:s31], [sflag:$0x8] =	stream.linear.gather [hbm4b:s30+s6], $0x2000, $0x38;
	[tilespmem:$0x18080] =	vst v63  }
.LBB2_2:
0x3b: {  	_ =	swait.ge [sflag:s1], $0x2000  }
0x3c: {  	[sflag:s1] =	ssyncset.done $0x0  }
0x3d: {  	[sflag:s1] =	ssyncadd.s32 $0xFFFFE000  }
0x3e: {  	_ =	swait.ge [sflag:s2], $0x2000  }
0x3f: {  	p0 =	seq.s32 s21, $0x0;
	[sflag:s2] =	ssyncset.done $0x0  }
0x40: {  	s12 =	simm.s32 $0x0;
	s11 =	simm.s32 @!p0 $0x9;
	[sflag:s2] =	ssyncadd.s32 $0xFFFFE000  }
0x41: {  	s13 =	sand.u32 $0x1C00, s12;
	_ =	swait.ge @!p0 [sflag:s11], $0x2000  }
0x42: {  	s14 =	sor.u32 s13, s12;
	[sflag:s11] =	ssyncset.done @!p0 $0x0  }
0x43: {  	s31 =	sand.u32 $0x380, s12;
	s14 =	sor.u32 $0x70, s14;
	[sflag:s11] =	ssyncadd.s32 @!p0 $0xFFFFE000  }
0x44: {  	s11 =	sor.u32 s31, s13;
	v0 =	vld [tilespmem:s14+$0x8080]  }
0x45: {  	v1 =	vld [tilespmem:s11+$0x8080]  }
0x46: {  	v2 =	vld [tilespmem:s11+$0x8090]  }
0x47: {  	v3 =	vld [tilespmem:s11+$0x80A0]  }
0x48: {  	v7 =	vld [tilespmem:s11+$0x80B0]  }
0x49: {  	v8 =	vld [tilespmem:s11+$0x80C0]  }
0x4a: {  	v9 =	vld [tilespmem:s11+$0x80D0]  }
0x4b: {  	v10 =	vld [tilespmem:s11+$0x80E0]  }
0x4c: {  	v12 =	vld [tilespmem:s14+$0x80]  }
0x4d: {  	v11 =	vld.idx.msk [tilespmem:v0+s6+$0x0], $0xffff  }
0x4e: {  	v6 =	vld.idx.msk [tilespmem:v1+s6+$0x0], $0xffff  }
0x4f: {  	v5 =	vld.idx.msk [tilespmem:v2+s6+$0x0], $0xffff  }
0x50: {  	v4 =	vld.idx.msk [tilespmem:v3+s6+$0x0], $0xffff  }
0x51: {  	v3 =	vld.idx.msk [tilespmem:v7+s6+$0x0], $0xffff  }
0x52: {  	v2 =	vld.idx.msk [tilespmem:v8+s6+$0x0], $0xffff  }
0x53: {  	v1 =	vld.idx.msk [tilespmem:v9+s6+$0x0], $0xffff  }
0x54: {  	v0 =	vld.idx.msk [tilespmem:v10+s6+$0x0], $0xffff  }
0x55: {  	v10 =	vld [tilespmem:s11+$0x80];
	v7 =	vmul.f32 v12, v11  }
0x56: {  	v9 =	vld [tilespmem:s11+$0x90]  }
0x57: {  	v8 =	vld [tilespmem:s11+$0xA0];
	v7 =	vmax.f32 v7, $0.0e+00  }
0x58: {  	s22 =	sshll.u32 s21, $0x5;
	s13 =	simm.s32 $0x0;
	[tilespmem:s14+$0x10080] =	vst v7;
	v7 =	vld [tilespmem:s11+$0xB0];
	s14 =	simm.s32 $0x400  }
.LBB2_3:
0x59: {  	s15 =	sand.u32 $0x1C00, s14;
	s13 =	sadd.s32 $0x8, s13;
	v11 =	vld [tilespmem:s11+$0xC0];
	s12 =	sadd.s32 $0x10, s12  }
0x5a: {  	s30 =	sand.u32 $0x380, s12;
	s31 =	sor.u32 s15, s12;
	p1 =	slt.u32 s13, $0x1F8;
	v6 =	vmul.f32 v10, v6;
	v10 =	vld [tilespmem:s11+$0xD0]  }
0x5b: {  	s15 =	sor.u32 s30, s15;
	s30 =	sor.u32 $0x70, s31;
	v5 =	vmul.f32 v9, v5;
	v9 =	vld [tilespmem:s11+$0xE0]  }
0x5c: {  	v12 =	vld [tilespmem:s30+$0x8080];
	v6 =	vmax.f32 v6, $0.0e+00;
	v4 =	vmul.f32 v8, v4  }
0x5d: {  	v8 =	vld [tilespmem:s15+$0x8080];
	[tilespmem:s11+$0x10080] =	vst v6;
	v5 =	vmax.f32 v5, $0.0e+00;
	v3 =	vmul.f32 v7, v3  }
0x5e: {  	v7 =	vld [tilespmem:s15+$0x8090];
	[tilespmem:s11+$0x10090] =	vst v5;
	v4 =	vmax.f32 v4, $0.0e+00;
	v2 =	vmul.f32 v11, v2  }
0x5f: {  	v11 =	vld [tilespmem:s15+$0x80A0];
	[tilespmem:s11+$0x100A0] =	vst v4;
	v3 =	vmax.f32 v3, $0.0e+00;
	v1 =	vmul.f32 v10, v1  }
0x60: {  	v10 =	vld [tilespmem:s15+$0x80B0];
	[tilespmem:s11+$0x100B0] =	vst v3;
	v2 =	vmax.f32 v2, $0.0e+00;
	v0 =	vmul.f32 v9, v0  }
0x61: {  	v9 =	vld [tilespmem:s15+$0x80C0];
	[tilespmem:s11+$0x100C0] =	vst v2;
	v1 =	vmax.f32 v1, $0.0e+00  }
0x62: {  	v13 =	vld [tilespmem:s15+$0x80D0];
	[tilespmem:s11+$0x100D0] =	vst v1;
	v0 =	vmax.f32 v0, $0.0e+00  }
0x63: {  	v14 =	vld [tilespmem:s15+$0x80E0];
	[tilespmem:s11+$0x100E0] =	vst v0;
	s11 =	smov.u32 s15  }
0x64: {  	v0 =	vld.idx.msk [tilespmem:v12+s6+$0x0], $0xffff  }
0x65: {  	v1 =	vld [tilespmem:s30+$0x80]  }
0x66: {  	v6 =	vld.idx.msk [tilespmem:v8+s6+$0x0], $0xffff  }
0x67: {  	v5 =	vld.idx.msk [tilespmem:v7+s6+$0x0], $0xffff  }
0x68: {  	v4 =	vld.idx.msk [tilespmem:v11+s6+$0x0], $0xffff  }
0x69: {  	v3 =	vld.idx.msk [tilespmem:v10+s6+$0x0], $0xffff  }
0x6a: {  	v2 =	vld.idx.msk [tilespmem:v9+s6+$0x0], $0xffff;
	v7 =	vmul.f32 v1, v0  }
0x6b: {  	v1 =	vld.idx.msk [tilespmem:v13+s6+$0x0], $0xffff  }
.Ltmp2:
0x6c: {  	v0 =	vld.idx.msk [tilespmem:v14+s6+$0x0], $0xffff;
	v7 =	vmax.f32 v7, $0.0e+00;
	(pc) =	sbr.rel @p1 .LBB2_3-.Ltmp2, $4  }
0x6d: {  	v10 =	vld [tilespmem:s11+$0x80];
	[tilespmem:s30+$0x10080] =	vst v7  }
0x6e: {  	v9 =	vld [tilespmem:s11+$0x90]  }
0x6f: {  	v8 =	vld [tilespmem:s11+$0xA0]  }
0x70: {  	s14 =	sadd.s32 $0x400, s14;
	v7 =	vld [tilespmem:s11+$0xB0]  }
0x71: {  	v11 =	vld [tilespmem:s11+$0xC0]  }
0x72: {  	v6 =	vmul.f32 v10, v6;
	v10 =	vld [tilespmem:s11+$0xD0]  }
0x73: {  	v5 =	vmul.f32 v9, v5;
	v9 =	vld [tilespmem:s11+$0xE0]  }
0x74: {  	v6 =	vmax.f32 v6, $0.0e+00;
	v4 =	vmul.f32 v8, v4  }
0x75: {  	[tilespmem:s11+$0x10080] =	vst v6;
	v5 =	vmax.f32 v5, $0.0e+00;
	v3 =	vmul.f32 v7, v3  }
0x76: {  	[tilespmem:s11+$0x10090] =	vst v5;
	v4 =	vmax.f32 v4, $0.0e+00;
	v2 =	vmul.f32 v11, v2  }
0x77: {  	[tilespmem:s11+$0x100A0] =	vst v4;
	v3 =	vmax.f32 v3, $0.0e+00;
	v1 =	vmul.f32 v10, v1  }
0x78: {  	[tilespmem:s11+$0x100B0] =	vst v3;
	v2 =	vmax.f32 v2, $0.0e+00;
	v0 =	vmul.f32 v9, v0  }
0x79: {  	[tilespmem:s11+$0x100C0] =	vst v2;
	v1 =	vmax.f32 v1, $0.0e+00  }
0x7a: {  	s12 =	sshll.u32 s21, $0xC;
	p1 =	seq.s32 s21, $0xF;
	[tilespmem:s11+$0x100D0] =	vst v1;
	v0 =	vmax.f32 v0, $0.0e+00  }
0x7b: {  	s4 =	simm.s32 $0x10080;
	s14 =	sadd.s32 s12, s16;
	[tilespmem:s11+$0x100E0] =	vst v0;
	s11 =	sadd.s32 @!p1 s22, s17  }
0x7c: {  	[hbm4b:s14+s6] =	stream.linear.scatter [tilespmem:s4], [sflag:$0x9], $0x2000, $0x38;
	[tilespmem:$0x18080] =	vst v63  }
0x7d: {  	s11 =	sshll.u32 @!p1 s11, $0x7  }
0x7e: {  	s13 =	simm.s32 @!p1 $0x0;
	s14 =	simm.s32 @!p1 $0x80;
	s12 =	sadd.s32 @!p1 s0, s11  }
0x7f: {  	[tilespmem:s14], [sflag:$0x1] =	stream.linear.gather @!p1 [hbm4b:s12+s13], $0x2000, $0x38;
	[tilespmem:$0x18080] =	vst v63  }
0x80: {  	s11 =	sadd.s32 @!p1 s3, s11;
	s12 =	simm.s32 @!p1 $0x8080  }
0x81: {  	[tilespmem:s12], [sflag:$0x5] =	stream.linear.gather @!p1 [hbm4b:s11+s13], $0x2000, $0x38;
	[tilespmem:$0x18080] =	vst v63  }
0x82: {  	_ =	swait.ge [sflag:s23], $0x2000  }
0x83: {  	[sflag:s23] =	ssyncset.done $0x0  }
0x84: {  	[sflag:s23] =	ssyncadd.s32 $0xFFFFE000  }
0x85: {  	_ =	swait.ge [sflag:s24], $0x2000  }
0x86: {  	[sflag:s24] =	ssyncset.done $0x0  }
0x87: {  	s11 =	simm.s32 @!p0 $0xA;
	s13 =	simm.s32 $0x0;
	[sflag:s24] =	ssyncadd.s32 $0xFFFFE000  }
0x88: {  	s15 =	sand.u32 $0x1C00, s13;
	_ =	swait.ge @!p0 [sflag:s11], $0x2000  }
0x89: {  	s25 =	sor.u32 s15, s13;
	[sflag:s11] =	ssyncset.done @!p0 $0x0  }
0x8a: {  	s31 =	sand.u32 $0x380, s13;
	s30 =	sor.u32 $0x70, s25;
	[sflag:s11] =	ssyncadd.s32 @!p0 $0xFFFFE000  }
0x8b: {  	s12 =	sor.u32 s31, s15;
	v0 =	vld [tilespmem:s30+$0xA080]  }
0x8c: {  	v1 =	vld [tilespmem:s12+$0xA080]  }
0x8d: {  	v2 =	vld [tilespmem:s12+$0xA090]  }
0x8e: {  	v3 =	vld [tilespmem:s12+$0xA0A0]  }
0x8f: {  	v7 =	vld [tilespmem:s12+$0xA0B0]  }
0x90: {  	v8 =	vld [tilespmem:s12+$0xA0C0]  }
0x91: {  	v9 =	vld [tilespmem:s12+$0xA0D0]  }
0x92: {  	v10 =	vld [tilespmem:s12+$0xA0E0]  }
0x93: {  	v12 =	vld [tilespmem:s30+$0x2080]  }
0x94: {  	v11 =	vld.idx.msk [tilespmem:v0+s6+$0x0], $0xffff  }
0x95: {  	v6 =	vld.idx.msk [tilespmem:v1+s6+$0x0], $0xffff  }
0x96: {  	v5 =	vld.idx.msk [tilespmem:v2+s6+$0x0], $0xffff  }
0x97: {  	v4 =	vld.idx.msk [tilespmem:v3+s6+$0x0], $0xffff  }
0x98: {  	v3 =	vld.idx.msk [tilespmem:v7+s6+$0x0], $0xffff  }
0x99: {  	v2 =	vld.idx.msk [tilespmem:v8+s6+$0x0], $0xffff  }
0x9a: {  	v1 =	vld.idx.msk [tilespmem:v9+s6+$0x0], $0xffff  }
0x9b: {  	v0 =	vld.idx.msk [tilespmem:v10+s6+$0x0], $0xffff  }
0x9c: {  	v10 =	vld [tilespmem:s12+$0x2080];
	v7 =	vmul.f32 v12, v11  }
0x9d: {  	v9 =	vld [tilespmem:s12+$0x2090]  }
0x9e: {  	s11 =	sadd.s32 s22, s7;
	v8 =	vld [tilespmem:s12+$0x20A0];
	v7 =	vmax.f32 v7, $0.0e+00  }
0x9f: {  	s15 =	simm.s32 $0x0;
	s14 =	sadd.s32 $0x8, s11;
	[tilespmem:s30+$0x12080] =	vst v7;
	v7 =	vld [tilespmem:s12+$0x20B0];
	s30 =	simm.s32 $0x400  }
.LBB2_5:
0xa0: {  	s31 =	sand.u32 $0x1C00, s30;
	s15 =	sadd.s32 $0x8, s15;
	v11 =	vld [tilespmem:s12+$0x20C0];
	s13 =	sadd.s32 $0x10, s13  }
0xa1: {  	s4 =	sand.u32 $0x380, s13;
	s25 =	sor.u32 s31, s13;
	p2 =	slt.u32 s15, $0x1F8;
	v6 =	vmul.f32 v10, v6;
	v10 =	vld [tilespmem:s12+$0x20D0]  }
0xa2: {  	s4 =	sor.u32 s4, s31;
	s25 =	sor.u32 $0x70, s25;
	v5 =	vmul.f32 v9, v5;
	v9 =	vld [tilespmem:s12+$0x20E0]  }
0xa3: {  	v12 =	vld [tilespmem:s25+$0xA080];
	v6 =	vmax.f32 v6, $0.0e+00;
	v4 =	vmul.f32 v8, v4  }
0xa4: {  	v8 =	vld [tilespmem:s4+$0xA080];
	[tilespmem:s12+$0x12080] =	vst v6;
	v5 =	vmax.f32 v5, $0.0e+00;
	v3 =	vmul.f32 v7, v3  }
0xa5: {  	v7 =	vld [tilespmem:s4+$0xA090];
	[tilespmem:s12+$0x12090] =	vst v5;
	v4 =	vmax.f32 v4, $0.0e+00;
	v2 =	vmul.f32 v11, v2  }
0xa6: {  	v11 =	vld [tilespmem:s4+$0xA0A0];
	[tilespmem:s12+$0x120A0] =	vst v4;
	v3 =	vmax.f32 v3, $0.0e+00;
	v1 =	vmul.f32 v10, v1  }
0xa7: {  	v10 =	vld [tilespmem:s4+$0xA0B0];
	[tilespmem:s12+$0x120B0] =	vst v3;
	v2 =	vmax.f32 v2, $0.0e+00;
	v0 =	vmul.f32 v9, v0  }
0xa8: {  	v9 =	vld [tilespmem:s4+$0xA0C0];
	[tilespmem:s12+$0x120C0] =	vst v2;
	v1 =	vmax.f32 v1, $0.0e+00  }
0xa9: {  	v13 =	vld [tilespmem:s4+$0xA0D0];
	[tilespmem:s12+$0x120D0] =	vst v1;
	v0 =	vmax.f32 v0, $0.0e+00  }
0xaa: {  	v14 =	vld [tilespmem:s4+$0xA0E0];
	[tilespmem:s12+$0x120E0] =	vst v0;
	s12 =	smov.u32 s4  }
0xab: {  	v0 =	vld.idx.msk [tilespmem:v12+s6+$0x0], $0xffff  }
0xac: {  	v1 =	vld [tilespmem:s25+$0x2080]  }
0xad: {  	v6 =	vld.idx.msk [tilespmem:v8+s6+$0x0], $0xffff  }
0xae: {  	v5 =	vld.idx.msk [tilespmem:v7+s6+$0x0], $0xffff  }
0xaf: {  	v4 =	vld.idx.msk [tilespmem:v11+s6+$0x0], $0xffff  }
0xb0: {  	v3 =	vld.idx.msk [tilespmem:v10+s6+$0x0], $0xffff  }
0xb1: {  	v2 =	vld.idx.msk [tilespmem:v9+s6+$0x0], $0xffff;
	v7 =	vmul.f32 v1, v0  }
0xb2: {  	v1 =	vld.idx.msk [tilespmem:v13+s6+$0x0], $0xffff  }
.Ltmp3:
0xb3: {  	v0 =	vld.idx.msk [tilespmem:v14+s6+$0x0], $0xffff;
	v7 =	vmax.f32 v7, $0.0e+00;
	(pc) =	sbr.rel @p2 .LBB2_5-.Ltmp3, $4  }
0xb4: {  	v10 =	vld [tilespmem:s12+$0x2080];
	[tilespmem:s25+$0x12080] =	vst v7  }
0xb5: {  	v9 =	vld [tilespmem:s12+$0x2090]  }
0xb6: {  	v8 =	vld [tilespmem:s12+$0x20A0]  }
0xb7: {  	s30 =	sadd.s32 $0x400, s30;
	v7 =	vld [tilespmem:s12+$0x20B0]  }
0xb8: {  	v11 =	vld [tilespmem:s12+$0x20C0]  }
0xb9: {  	v6 =	vmul.f32 v10, v6;
	v10 =	vld [tilespmem:s12+$0x20D0]  }
0xba: {  	v5 =	vmul.f32 v9, v5;
	v9 =	vld [tilespmem:s12+$0x20E0]  }
0xbb: {  	v6 =	vmax.f32 v6, $0.0e+00;
	v4 =	vmul.f32 v8, v4  }
0xbc: {  	[tilespmem:s12+$0x12080] =	vst v6;
	v5 =	vmax.f32 v5, $0.0e+00;
	v3 =	vmul.f32 v7, v3  }
0xbd: {  	[tilespmem:s12+$0x12090] =	vst v5;
	v4 =	vmax.f32 v4, $0.0e+00;
	v2 =	vmul.f32 v11, v2  }
0xbe: {  	[tilespmem:s12+$0x120A0] =	vst v4;
	v3 =	vmax.f32 v3, $0.0e+00;
	v1 =	vmul.f32 v10, v1  }
0xbf: {  	[tilespmem:s12+$0x120B0] =	vst v3;
	v2 =	vmax.f32 v2, $0.0e+00;
	v0 =	vmul.f32 v9, v0  }
0xc0: {  	[tilespmem:s12+$0x120C0] =	vst v2;
	v1 =	vmax.f32 v1, $0.0e+00  }
0xc1: {  	s4 =	sshll.u32 s14, $0x7;
	[tilespmem:s12+$0x120D0] =	vst v1;
	v0 =	vmax.f32 v0, $0.0e+00  }
0xc2: {  	s14 =	simm.s32 $0x12080;
	s4 =	sadd.s32 s5, s4;
	[tilespmem:s12+$0x120E0] =	vst v0  }
0xc3: {  	[hbm4b:s4+s6] =	stream.linear.scatter [tilespmem:s14], [sflag:$0xA], $0x2000, $0x38;
	[tilespmem:$0x18080] =	vst v63  }
0xc4: {  	s4 =	sadd.s32 @!p1 s22, s18  }
0xc5: {  	s4 =	sshll.u32 @!p1 s4, $0x7  }
0xc6: {  	s13 =	simm.s32 @!p1 $0x0;
	s14 =	simm.s32 @!p1 $0x2080;
	s12 =	sadd.s32 @!p1 s0, s4  }
0xc7: {  	[tilespmem:s14], [sflag:$0x2] =	stream.linear.gather @!p1 [hbm4b:s12+s13], $0x2000, $0x38;
	[tilespmem:$0x18080] =	vst v63  }
0xc8: {  	s4 =	sadd.s32 @!p1 s3, s4;
	s12 =	simm.s32 @!p1 $0xA080  }
0xc9: {  	[tilespmem:s12], [sflag:$0x6] =	stream.linear.gather @!p1 [hbm4b:s4+s13], $0x2000, $0x38;
	[tilespmem:$0x18080] =	vst v63  }
0xca: {  	_ =	swait.ge [sflag:s26], $0x2000  }
0xcb: {  	[sflag:s26] =	ssyncset.done $0x0  }
0xcc: {  	[sflag:s26] =	ssyncadd.s32 $0xFFFFE000  }
0xcd: {  	_ =	swait.ge [sflag:s28], $0x2000  }
0xce: {  	[sflag:s28] =	ssyncset.done $0x0  }
0xcf: {  	s4 =	simm.s32 @!p0 $0xB;
	s13 =	simm.s32 $0x0;
	[sflag:s28] =	ssyncadd.s32 $0xFFFFE000  }
0xd0: {  	s15 =	sand.u32 $0x1C00, s13;
	_ =	swait.ge @!p0 [sflag:s4], $0x2000  }
0xd1: {  	s25 =	sor.u32 s15, s13;
	[sflag:s4] =	ssyncset.done @!p0 $0x0  }
0xd2: {  	s31 =	sand.u32 $0x380, s13;
	s25 =	sor.u32 $0x70, s25;
	[sflag:s4] =	ssyncadd.s32 @!p0 $0xFFFFE000  }
0xd3: {  	s12 =	sor.u32 s31, s15;
	v0 =	vld [tilespmem:s25+$0xC080]  }
0xd4: {  	v1 =	vld [tilespmem:s12+$0xC080]  }
0xd5: {  	v2 =	vld [tilespmem:s12+$0xC090]  }
0xd6: {  	v3 =	vld [tilespmem:s12+$0xC0A0]  }
0xd7: {  	v7 =	vld [tilespmem:s12+$0xC0B0]  }
0xd8: {  	v8 =	vld [tilespmem:s12+$0xC0C0]  }
0xd9: {  	v9 =	vld [tilespmem:s12+$0xC0D0]  }
0xda: {  	v10 =	vld [tilespmem:s12+$0xC0E0]  }
0xdb: {  	v12 =	vld [tilespmem:s25+$0x4080]  }
0xdc: {  	v11 =	vld.idx.msk [tilespmem:v0+s6+$0x0], $0xffff  }
0xdd: {  	v6 =	vld.idx.msk [tilespmem:v1+s6+$0x0], $0xffff  }
0xde: {  	v5 =	vld.idx.msk [tilespmem:v2+s6+$0x0], $0xffff  }
0xdf: {  	v4 =	vld.idx.msk [tilespmem:v3+s6+$0x0], $0xffff  }
0xe0: {  	v3 =	vld.idx.msk [tilespmem:v7+s6+$0x0], $0xffff  }
0xe1: {  	v2 =	vld.idx.msk [tilespmem:v8+s6+$0x0], $0xffff  }
0xe2: {  	v1 =	vld.idx.msk [tilespmem:v9+s6+$0x0], $0xffff  }
0xe3: {  	v0 =	vld.idx.msk [tilespmem:v10+s6+$0x0], $0xffff  }
0xe4: {  	v10 =	vld [tilespmem:s12+$0x4080];
	v7 =	vmul.f32 v12, v11  }
0xe5: {  	v9 =	vld [tilespmem:s12+$0x4090]  }
0xe6: {  	v8 =	vld [tilespmem:s12+$0x40A0];
	v7 =	vmax.f32 v7, $0.0e+00  }
0xe7: {  	s30 =	simm.s32 $0x400;
	s14 =	sadd.s32 $0x10, s11;
	s15 =	simm.s32 $0x0;
	[tilespmem:s25+$0x14080] =	vst v7;
	v7 =	vld [tilespmem:s12+$0x40B0]  }
.LBB2_7:
0xe8: {  	s4 =	sand.u32 $0x1C00, s30;
	s15 =	sadd.s32 $0x8, s15;
	v11 =	vld [tilespmem:s12+$0x40C0];
	s13 =	sadd.s32 $0x10, s13  }
0xe9: {  	s25 =	sand.u32 $0x380, s13;
	s31 =	sor.u32 s4, s13;
	p2 =	slt.u32 s15, $0x1F8;
	v6 =	vmul.f32 v10, v6;
	v10 =	vld [tilespmem:s12+$0x40D0]  }
0xea: {  	s4 =	sor.u32 s25, s4;
	s25 =	sor.u32 $0x70, s31;
	v5 =	vmul.f32 v9, v5;
	v9 =	vld [tilespmem:s12+$0x40E0]  }
0xeb: {  	v12 =	vld [tilespmem:s25+$0xC080];
	v6 =	vmax.f32 v6, $0.0e+00;
	v4 =	vmul.f32 v8, v4  }
0xec: {  	v8 =	vld [tilespmem:s4+$0xC080];
	[tilespmem:s12+$0x14080] =	vst v6;
	v5 =	vmax.f32 v5, $0.0e+00;
	v3 =	vmul.f32 v7, v3  }
0xed: {  	v7 =	vld [tilespmem:s4+$0xC090];
	[tilespmem:s12+$0x14090] =	vst v5;
	v4 =	vmax.f32 v4, $0.0e+00;
	v2 =	vmul.f32 v11, v2  }
0xee: {  	v11 =	vld [tilespmem:s4+$0xC0A0];
	[tilespmem:s12+$0x140A0] =	vst v4;
	v3 =	vmax.f32 v3, $0.0e+00;
	v1 =	vmul.f32 v10, v1  }
0xef: {  	v10 =	vld [tilespmem:s4+$0xC0B0];
	[tilespmem:s12+$0x140B0] =	vst v3;
	v2 =	vmax.f32 v2, $0.0e+00;
	v0 =	vmul.f32 v9, v0  }
0xf0: {  	v9 =	vld [tilespmem:s4+$0xC0C0];
	[tilespmem:s12+$0x140C0] =	vst v2;
	v1 =	vmax.f32 v1, $0.0e+00  }
0xf1: {  	v13 =	vld [tilespmem:s4+$0xC0D0];
	[tilespmem:s12+$0x140D0] =	vst v1;
	v0 =	vmax.f32 v0, $0.0e+00  }
0xf2: {  	v14 =	vld [tilespmem:s4+$0xC0E0];
	[tilespmem:s12+$0x140E0] =	vst v0;
	s12 =	smov.u32 s4  }
0xf3: {  	v0 =	vld.idx.msk [tilespmem:v12+s6+$0x0], $0xffff  }
0xf4: {  	v1 =	vld [tilespmem:s25+$0x4080]  }
0xf5: {  	v6 =	vld.idx.msk [tilespmem:v8+s6+$0x0], $0xffff  }
0xf6: {  	v5 =	vld.idx.msk [tilespmem:v7+s6+$0x0], $0xffff  }
0xf7: {  	v4 =	vld.idx.msk [tilespmem:v11+s6+$0x0], $0xffff  }
0xf8: {  	v3 =	vld.idx.msk [tilespmem:v10+s6+$0x0], $0xffff  }
0xf9: {  	v2 =	vld.idx.msk [tilespmem:v9+s6+$0x0], $0xffff;
	v7 =	vmul.f32 v1, v0  }
0xfa: {  	v1 =	vld.idx.msk [tilespmem:v13+s6+$0x0], $0xffff  }
.Ltmp4:
0xfb: {  	v0 =	vld.idx.msk [tilespmem:v14+s6+$0x0], $0xffff;
	v7 =	vmax.f32 v7, $0.0e+00;
	(pc) =	sbr.rel @p2 .LBB2_7-.Ltmp4, $4  }
0xfc: {  	v10 =	vld [tilespmem:s12+$0x4080];
	[tilespmem:s25+$0x14080] =	vst v7  }
0xfd: {  	v9 =	vld [tilespmem:s12+$0x4090]  }
0xfe: {  	v8 =	vld [tilespmem:s12+$0x40A0]  }
0xff: {  	s30 =	sadd.s32 $0x400, s30;
	v7 =	vld [tilespmem:s12+$0x40B0]  }
0x100: {  	v11 =	vld [tilespmem:s12+$0x40C0]  }
0x101: {  	v6 =	vmul.f32 v10, v6;
	v10 =	vld [tilespmem:s12+$0x40D0]  }
0x102: {  	v5 =	vmul.f32 v9, v5;
	v9 =	vld [tilespmem:s12+$0x40E0]  }
0x103: {  	v6 =	vmax.f32 v6, $0.0e+00;
	v4 =	vmul.f32 v8, v4  }
0x104: {  	[tilespmem:s12+$0x14080] =	vst v6;
	v5 =	vmax.f32 v5, $0.0e+00;
	v3 =	vmul.f32 v7, v3  }
0x105: {  	[tilespmem:s12+$0x14090] =	vst v5;
	v4 =	vmax.f32 v4, $0.0e+00;
	v2 =	vmul.f32 v11, v2  }
0x106: {  	[tilespmem:s12+$0x140A0] =	vst v4;
	v3 =	vmax.f32 v3, $0.0e+00;
	v1 =	vmul.f32 v10, v1  }
0x107: {  	[tilespmem:s12+$0x140B0] =	vst v3;
	v2 =	vmax.f32 v2, $0.0e+00;
	v0 =	vmul.f32 v9, v0  }
0x108: {  	[tilespmem:s12+$0x140C0] =	vst v2;
	v1 =	vmax.f32 v1, $0.0e+00  }
0x109: {  	s4 =	sshll.u32 s14, $0x7;
	[tilespmem:s12+$0x140D0] =	vst v1;
	v0 =	vmax.f32 v0, $0.0e+00  }
0x10a: {  	s4 =	sadd.s32 s5, s4;
	[tilespmem:s12+$0x140E0] =	vst v0  }
0x10b: {  	[hbm4b:s4+s6] =	stream.linear.scatter [tilespmem:s29], [sflag:$0xB], $0x2000, $0x38;
	[tilespmem:$0x18080] =	vst v63  }
0x10c: {  	s4 =	sadd.s32 @!p1 s22, s19  }
0x10d: {  	s4 =	sshll.u32 @!p1 s4, $0x7  }
0x10e: {  	s13 =	simm.s32 @!p1 $0x0;
	s14 =	simm.s32 @!p1 $0x4080;
	s12 =	sadd.s32 @!p1 s0, s4  }
0x10f: {  	[tilespmem:s14], [sflag:$0x3] =	stream.linear.gather @!p1 [hbm4b:s12+s13], $0x2000, $0x38;
	[tilespmem:$0x18080] =	vst v63  }
0x110: {  	s4 =	sadd.s32 @!p1 s3, s4;
	s12 =	simm.s32 @!p1 $0xC080  }
0x111: {  	[tilespmem:s12], [sflag:$0x7] =	stream.linear.gather @!p1 [hbm4b:s4+s13], $0x2000, $0x38;
	[tilespmem:$0x18080] =	vst v63  }
0x112: {  	_ =	swait.ge [sflag:s8], $0x2000  }
0x113: {  	[sflag:s8] =	ssyncset.done $0x0  }
0x114: {  	[sflag:s8] =	ssyncadd.s32 $0xFFFFE000  }
0x115: {  	_ =	swait.ge [sflag:s9], $0x2000  }
0x116: {  	[sflag:s9] =	ssyncset.done $0x0  }
0x117: {  	s4 =	simm.s32 @!p0 $0xC;
	s13 =	simm.s32 $0x0;
	[sflag:s9] =	ssyncadd.s32 $0xFFFFE000  }
0x118: {  	s25 =	sand.u32 $0x1C00, s13;
	_ =	swait.ge @!p0 [sflag:s4], $0x2000  }
0x119: {  	s30 =	sor.u32 s25, s13;
	[sflag:s4] =	ssyncset.done @!p0 $0x0  }
0x11a: {  	s31 =	sand.u32 $0x380, s13;
	s15 =	sor.u32 $0x70, s30;
	[sflag:s4] =	ssyncadd.s32 @!p0 $0xFFFFE000  }
0x11b: {  	s12 =	sor.u32 s31, s25;
	v0 =	vld [tilespmem:s15+$0xE080]  }
0x11c: {  	v1 =	vld [tilespmem:s12+$0xE080]  }
0x11d: {  	v2 =	vld [tilespmem:s12+$0xE090]  }
0x11e: {  	v3 =	vld [tilespmem:s12+$0xE0A0]  }
0x11f: {  	v7 =	vld [tilespmem:s12+$0xE0B0]  }
0x120: {  	v8 =	vld [tilespmem:s12+$0xE0C0]  }
0x121: {  	v9 =	vld [tilespmem:s12+$0xE0D0]  }
0x122: {  	v10 =	vld [tilespmem:s12+$0xE0E0]  }
0x123: {  	v12 =	vld [tilespmem:s15+$0x6080]  }
0x124: {  	v11 =	vld.idx.msk [tilespmem:v0+s6+$0x0], $0xffff  }
0x125: {  	v6 =	vld.idx.msk [tilespmem:v1+s6+$0x0], $0xffff  }
0x126: {  	v5 =	vld.idx.msk [tilespmem:v2+s6+$0x0], $0xffff  }
0x127: {  	v4 =	vld.idx.msk [tilespmem:v3+s6+$0x0], $0xffff  }
0x128: {  	v3 =	vld.idx.msk [tilespmem:v7+s6+$0x0], $0xffff  }
0x129: {  	v2 =	vld.idx.msk [tilespmem:v8+s6+$0x0], $0xffff  }
0x12a: {  	v1 =	vld.idx.msk [tilespmem:v9+s6+$0x0], $0xffff  }
0x12b: {  	v0 =	vld.idx.msk [tilespmem:v10+s6+$0x0], $0xffff  }
0x12c: {  	v10 =	vld [tilespmem:s12+$0x6080];
	v7 =	vmul.f32 v12, v11  }
0x12d: {  	v9 =	vld [tilespmem:s12+$0x6090]  }
0x12e: {  	v8 =	vld [tilespmem:s12+$0x60A0];
	v7 =	vmax.f32 v7, $0.0e+00  }
0x12f: {  	s11 =	sadd.s32 $0x18, s11;
	s14 =	simm.s32 $0x0;
	[tilespmem:s15+$0x16080] =	vst v7;
	v7 =	vld [tilespmem:s12+$0x60B0];
	s15 =	simm.s32 $0x400  }
.LBB2_9:
0x130: {  	s4 =	sand.u32 $0x1C00, s15;
	s14 =	sadd.s32 $0x8, s14;
	v11 =	vld [tilespmem:s12+$0x60C0];
	s13 =	sadd.s32 $0x10, s13  }
0x131: {  	s25 =	sand.u32 $0x380, s13;
	s30 =	sor.u32 s4, s13;
	p0 =	slt.u32 s14, $0x1F8;
	v6 =	vmul.f32 v10, v6;
	v10 =	vld [tilespmem:s12+$0x60D0]  }
0x132: {  	s4 =	sor.u32 s25, s4;
	s25 =	sor.u32 $0x70, s30;
	v5 =	vmul.f32 v9, v5;
	v9 =	vld [tilespmem:s12+$0x60E0]  }
0x133: {  	v12 =	vld [tilespmem:s25+$0xE080];
	v6 =	vmax.f32 v6, $0.0e+00;
	v4 =	vmul.f32 v8, v4  }
0x134: {  	v8 =	vld [tilespmem:s4+$0xE080];
	[tilespmem:s12+$0x16080] =	vst v6;
	v5 =	vmax.f32 v5, $0.0e+00;
	v3 =	vmul.f32 v7, v3  }
0x135: {  	v7 =	vld [tilespmem:s4+$0xE090];
	[tilespmem:s12+$0x16090] =	vst v5;
	v4 =	vmax.f32 v4, $0.0e+00;
	v2 =	vmul.f32 v11, v2  }
0x136: {  	v11 =	vld [tilespmem:s4+$0xE0A0];
	[tilespmem:s12+$0x160A0] =	vst v4;
	v3 =	vmax.f32 v3, $0.0e+00;
	v1 =	vmul.f32 v10, v1  }
0x137: {  	v10 =	vld [tilespmem:s4+$0xE0B0];
	[tilespmem:s12+$0x160B0] =	vst v3;
	v2 =	vmax.f32 v2, $0.0e+00;
	v0 =	vmul.f32 v9, v0  }
0x138: {  	v9 =	vld [tilespmem:s4+$0xE0C0];
	[tilespmem:s12+$0x160C0] =	vst v2;
	v1 =	vmax.f32 v1, $0.0e+00  }
0x139: {  	v13 =	vld [tilespmem:s4+$0xE0D0];
	[tilespmem:s12+$0x160D0] =	vst v1;
	v0 =	vmax.f32 v0, $0.0e+00  }
0x13a: {  	v14 =	vld [tilespmem:s4+$0xE0E0];
	[tilespmem:s12+$0x160E0] =	vst v0;
	s12 =	smov.u32 s4  }
0x13b: {  	v0 =	vld.idx.msk [tilespmem:v12+s6+$0x0], $0xffff  }
0x13c: {  	v1 =	vld [tilespmem:s25+$0x6080]  }
0x13d: {  	v6 =	vld.idx.msk [tilespmem:v8+s6+$0x0], $0xffff  }
0x13e: {  	v5 =	vld.idx.msk [tilespmem:v7+s6+$0x0], $0xffff  }
0x13f: {  	v4 =	vld.idx.msk [tilespmem:v11+s6+$0x0], $0xffff  }
0x140: {  	v3 =	vld.idx.msk [tilespmem:v10+s6+$0x0], $0xffff  }
0x141: {  	v2 =	vld.idx.msk [tilespmem:v9+s6+$0x0], $0xffff;
	v7 =	vmul.f32 v1, v0  }
0x142: {  	v1 =	vld.idx.msk [tilespmem:v13+s6+$0x0], $0xffff  }
.Ltmp5:
0x143: {  	v0 =	vld.idx.msk [tilespmem:v14+s6+$0x0], $0xffff;
	v7 =	vmax.f32 v7, $0.0e+00;
	(pc) =	sbr.rel @p0 .LBB2_9-.Ltmp5, $4  }
0x144: {  	v10 =	vld [tilespmem:s12+$0x6080];
	[tilespmem:s25+$0x16080] =	vst v7  }
0x145: {  	v9 =	vld [tilespmem:s12+$0x6090]  }
0x146: {  	v8 =	vld [tilespmem:s12+$0x60A0]  }
0x147: {  	s15 =	sadd.s32 $0x400, s15;
	v7 =	vld [tilespmem:s12+$0x60B0]  }
0x148: {  	v11 =	vld [tilespmem:s12+$0x60C0]  }
0x149: {  	v62 =	vld [tilespmem:s12+$0x60D0];
	v6 =	vmul.f32 v10, v6  }
0x14a: {  	v63 =	vld [tilespmem:s12+$0x60E0];
	v5 =	vmul.f32 v9, v5  }
0x14b: {  	v6 =	vmax.f32 v6, $0.0e+00;
	v4 =	vmul.f32 v8, v4  }
0x14c: {  	[tilespmem:s12+$0x16080] =	vst v6;
	v5 =	vmax.f32 v5, $0.0e+00;
	v3 =	vmul.f32 v7, v3  }
0x14d: {  	[tilespmem:s12+$0x16090] =	vst v5;
	v4 =	vmax.f32 v4, $0.0e+00;
	v2 =	vmul.f32 v11, v2  }
0x14e: {  	v1 =	vmul.f32 v62, v1;
	[tilespmem:s12+$0x160A0] =	vst v4;
	v3 =	vmax.f32 v3, $0.0e+00  }
.Ltmp6:
0x14f: {  	v0 =	vmul.f32 v63, v0;
	[tilespmem:s12+$0x160B0] =	vst v3;
	v2 =	vmax.f32 v2, $0.0e+00;
	(pc) =	sbr.rel @p1 .LBB2_12-.Ltmp6, $4  }
0x150: {  	v1 =	vmax.f32 v1, $0.0e+00;
	[tilespmem:s12+$0x160C0] =	vst v2  }
0x151: {  	s4 =	sshll.u32 s11, $0x7;
	v0 =	vmax.f32 v0, $0.0e+00;
	[tilespmem:s12+$0x160D0] =	vst v1  }
0x152: {  	s4 =	sadd.s32 s5, s4;
	[tilespmem:s12+$0x160E0] =	vst v0  }
0x153: {  	[hbm4b:s4+s6] =	stream.linear.scatter [tilespmem:s10], [sflag:$0xC], $0x2000, $0x38;
	[tilespmem:$0x18080] =	vst v63  }
0x154: {  	s4 =	sadd.s32 s22, s20  }
.Ltmp7:
0x155: {  	s4 =	sshll.u32 s4, $0x7;
	(pc) =	sbr.rel .LBB2_2-.Ltmp7, $4  }
0x156: {  	s12 =	simm.s32 $0x6080;
	s11 =	sadd.s32 s0, s4  }
0x157: {  	[tilespmem:s12], [sflag:$0x4] =	stream.linear.gather [hbm4b:s11+s6], $0x2000, $0x38;
	[tilespmem:$0x18080] =	vst v63  }
0x158: {  	s31 =	simm.s32 $0xE080;
	s21 =	sadd.s32 $0x1, s21;
	s4 =	sadd.s32 s3, s4  }
0x159: {  	[tilespmem:s31], [sflag:$0x8] =	stream.linear.gather [hbm4b:s4+s6], $0x2000, $0x38;
	[tilespmem:$0x18080] =	vst v63  }
.LBB2_13:
0x15a: {  	_ =	sfence.sel $0x180000  }
0x15b: {  	[bflag:$0x0] =	sbarrier.arrive $0xFFFF  }
0x15c: {  	_ =	strace $0x90000047  }
0x15d: {  	s0 =	stileid.u32;
	[bflag:$0x2] =	sbarrier.arrive $0xFFFF  }
0x15e: {  	p0 =	sne.s32 s0, $0x0;
	s0 =	rddreg [dreg:$0x4]  }
0x15f: {  	s0 =	sadd.s32 @!p0 $0x100000, s0  }
0x160: {  	[sflag:s0] =	ssyncadd.tile.s32 @!p0 $0x1;
	_ =	shalt  }
.Lfunc_end2:
_tile_overlayer_lowered:
.L_overlay_start_2:
0x161: {  	(tag) =	ssettag $0x2  }
0x162: {  	s0 =	rddreg [dreg:$0x0];
	s2 =	stileid.u32  }
0x163: {  	s1 =	rddreg [dreg:$0x1];
	p0 =	sne.s32 s2, $0x0  }
0x164: {  	s3 =	rddreg [dreg:$0x2];
	[bflag:$0x3] =	sbarrier.arrive $0xFFFF;
	s2 =	simm.s32 @!p0 $0x1C0D  }
0x165: {  	[timem:s3], [sflag:s2] =	dma.local @!p0 [hbm:s0], s1  }
0x166: {  	s0 =	simm.s32 @!p0 $0xD  }
0x167: {  	_ =	swait.ge @!p0 [sflag:s0], s1  }
0x168: {  	s1 =	ssub.s32 @!p0 $0x0, s1;
	[sflag:s0] =	ssyncset.done @!p0 $0x0  }
0x169: {  	[sflag:s0] =	ssyncadd.s32 @!p0 s1  }
0x16a: {  	[bflag:$0x3] =	sbarrier.arrive $0xFFFF  }
0x16b: {  	_ =	shalt  }

</sc_bundles>
